<compile_context>
chip_gen: v7x
topology: tpu7x:2x2x1
jax: 0.10.2.dev20260603
libtpu: 0.0.44.dev20260713+nightly
codegen_flags: <defaults>
</compile_context>

<pallas_src>
import numpy as np
import jax
import jax.numpy as jnp
from jax import lax
from jax.experimental import pallas as pl
from jax.experimental.pallas import tpu as pltpu, tpu_sc as plsc

BB = 16
NPTS = 1024
KNBR = 64
NEG = -1e30
_HI = jax.lax.Precision.DEFAULT


def _mm(a, b):
    return jnp.dot(a, b, precision=_HI)
_BN_SC = 1.0 / np.sqrt(1.0 + 1e-5)



def _fps_call(pos_t, n, n_sel):

    def body(pos_ref, out_ref):
        px = pos_ref[:, 0, :]
        py = pos_ref[:, 1, :]
        pz = pos_ref[:, 2, :]
        iota = lax.broadcasted_iota(jnp.int32, (BB, n), 1)

        def step(s, carry):
            dists, last = carry
            onehot = iota == last
            lx = jnp.sum(jnp.where(onehot, px, 0.0), axis=1, keepdims=True)
            ly = jnp.sum(jnp.where(onehot, py, 0.0), axis=1, keepdims=True)
            lz = jnp.sum(jnp.where(onehot, pz, 0.0), axis=1, keepdims=True)
            out_ref[s] = jnp.concatenate([lx, ly, lz], axis=1)
            dx = px - lx
            dy = py - ly
            dz = pz - lz
            d = dx * dx + dy * dy + dz * dz
            dists = jnp.minimum(dists, d)
            m = jnp.max(dists, axis=1, keepdims=True)
            nxt = jnp.min(jnp.where(dists == m, iota, n), axis=1, keepdims=True)
            return dists, nxt

        lax.fori_loop(
            0, n_sel, step,
            (jnp.full((BB, n), 1e30, jnp.float32), jnp.zeros((BB, 1), jnp.int32)),
        )

    return pl.pallas_call(
        body,
        out_shape=jax.ShapeDtypeStruct((n_sel, BB, 3), jnp.float32),
    )(pos_t)



def _group_call(pos_t, cen_t, n, m, radius, emit_nbr):
    info = plsc.get_sparse_core_info()
    nw = info.num_cores * info.num_subcores
    cpw = nw // BB
    mc = m // cpw
    ngrp = n // 16
    r2 = radius * radius

    out_type = [
        jax.ShapeDtypeStruct((BB, m * KNBR * 3), jnp.float32),
        jax.ShapeDtypeStruct((BB, m * KNBR), jnp.float32),
    ]
    scratch = [
        pltpu.VMEM((n,), jnp.float32), pltpu.VMEM((n,), jnp.float32),
        pltpu.VMEM((n,), jnp.float32),
        pltpu.VMEM((mc,), jnp.float32), pltpu.VMEM((mc,), jnp.float32),
        pltpu.VMEM((mc,), jnp.float32),
        pltpu.VMEM((mc * KNBR * 3,), jnp.float32),
        pltpu.VMEM((mc * KNBR,), jnp.float32),
    ]
    if emit_nbr:
        out_type.append(jax.ShapeDtypeStruct((BB, m * KNBR), jnp.int32))
        scratch.append(pltpu.VMEM((mc * KNBR,), jnp.int32))

    mesh = plsc.VectorSubcoreMesh(core_axis_name="c", subcore_axis_name="s")

    def body(*refs):
        if emit_nbr:
            (pxh, pyh, pzh, cxh, cyh, czh, relh, maskh, nbrh,
             px, py, pz, cx, cy, cz, relv, maskv, nbrv) = refs
        else:
            (pxh, pyh, pzh, cxh, cyh, czh, relh, maskh,
             px, py, pz, cx, cy, cz, relv, maskv) = refs
            nbrv = None
        wid = lax.axis_index("s") * info.num_cores + lax.axis_index("c")
        cloud = wid // cpw
        chunk = wid % cpw
        cstart = chunk * mc

        pltpu.sync_copy(pxh.at[cloud], px)
        pltpu.sync_copy(pyh.at[cloud], py)
        pltpu.sync_copy(pzh.at[cloud], pz)
        pltpu.sync_copy(cxh.at[cloud, pl.ds(cstart, mc)], cx)
        pltpu.sync_copy(cyh.at[cloud, pl.ds(cstart, mc)], cy)
        pltpu.sync_copy(czh.at[cloud, pl.ds(cstart, mc)], cz)

        zero16 = jnp.zeros((16,), jnp.float32)
        neg16 = jnp.full((16,), NEG, jnp.float32)
        izero16 = jnp.zeros((16,), jnp.int32)

        def fill(k, _):
            maskv[pl.ds(k * 16, 16)] = neg16
            if emit_nbr:
                nbrv[pl.ds(k * 16, 16)] = izero16
            return 0

        lax.fori_loop(0, mc * KNBR // 16, fill, 0)

        def fillr(k, _):
            relv[pl.ds(k * 16, 16)] = zero16
            return 0

        lax.fori_loop(0, mc * KNBR * 3 // 16, fillr, 0)

        lane = lax.iota(jnp.int32, 16)
        U = 4

        def per_block(blk, _):
            ccx = cx[pl.ds(blk * 16, 16)]
            ccy = cy[pl.ds(blk * 16, 16)]
            ccz = cz[pl.ds(blk * 16, 16)]
            base = (blk * 16 + lane) * KNBR

            def per_pt(jj, cnt):
                for u in range(U):
                    j = jj * U + u
                    jv = jnp.full((16,), j, jnp.int32)
                    vx = plsc.load_gather(px, [jv])
                    vy = plsc.load_gather(py, [jv])
                    vz = plsc.load_gather(pz, [jv])
                    dx = vx - ccx
                    dy = vy - ccy
                    dz = vz - ccz
                    d2 = dx * dx + dy * dy + dz * dz
                    okw = (d2 <= r2) & (cnt < KNBR)
                    slot = base + cnt
                    s3 = slot * 3
                    plsc.store_scatter(relv, [s3], dx, mask=okw)
                    plsc.store_scatter(relv, [s3 + 1], dy, mask=okw)
                    plsc.store_scatter(relv, [s3 + 2], dz, mask=okw)
                    plsc.store_scatter(maskv, [slot], zero16, mask=okw)
                    if emit_nbr:
                        plsc.store_scatter(nbrv, [slot], jv, mask=okw)
                    cnt = cnt + jnp.where(okw, 1, 0)
                return cnt

            lax.fori_loop(0, n // U, per_pt, jnp.zeros((16,), jnp.int32))
            return 0

        lax.fori_loop(0, mc // 16, per_block, 0)

        obase = chunk * (mc * KNBR)
        pltpu.sync_copy(relv, relh.at[cloud, pl.ds(obase * 3, mc * KNBR * 3)])
        pltpu.sync_copy(maskv, maskh.at[cloud, pl.ds(obase, mc * KNBR)])
        if emit_nbr:
            pltpu.sync_copy(nbrv, nbrh.at[cloud, pl.ds(obase, mc * KNBR)])

    fn = pl.kernel(body, out_type=tuple(out_type), mesh=mesh,
                   scratch_types=scratch,
                   compiler_params=pltpu.CompilerParams(
                       needs_layout_passes=False))
    return fn(pos_t[:, 0, :], pos_t[:, 1, :], pos_t[:, 2, :],
              cen_t[:, 0, :], cen_t[:, 1, :], cen_t[:, 2, :])



def _mlp_pool_call(xg, rel, mask, ws, n_centers, cblk):
    rows_blk = cblk * KNBR
    grid = n_centers // cblk
    (w0, b0, g0, be0), (w1, b1, g1, be1), (w2, b2) = ws

    def body(*refs):
        if xg is None:
            (rel_ref, mask_ref, w0_r, b0_r, g0_r, be0_r, w1_r, b1_r, g1_r,
             be1_r, w2_r, b2_r, out_ref) = refs
            x = rel_ref[...]
        else:
            (xg_ref, rel_ref, mask_ref, w0_r, b0_r, g0_r, be0_r, w1_r, b1_r,
             g1_r, be1_r, w2_r, b2_r, out_ref) = refs
            x = jnp.concatenate([xg_ref[...], rel_ref[...]], axis=1)
        h = _mm(x, w0_r[...]) + b0_r[...]
        h = jnp.maximum(g0_r[...] * (h * _BN_SC) + be0_r[...], 0.0)
        h = _mm(h, w1_r[...]) + b1_r[...]
        h = jnp.maximum(g1_r[...] * (h * _BN_SC) + be1_r[...], 0.0)
        h = _mm(h, w2_r[...]) + b2_r[...]
        c_out = h.shape[-1]
        h = h.reshape(cblk, KNBR, c_out) + mask_ref[...][:, :, None]
        out_ref[...] = jnp.max(h, axis=1)

    full = lambda a: pl.BlockSpec(a.shape, lambda i: (0,) * a.ndim)
    in_specs = []
    args = []
    if xg is not None:
        in_specs.append(pl.BlockSpec((rows_blk, xg.shape[1]), lambda i: (i, 0)))
        args.append(xg)
    in_specs.append(pl.BlockSpec((rows_blk, 3), lambda i: (i, 0)))
    args.append(rel)
    in_specs.append(pl.BlockSpec((cblk, KNBR), lambda i: (i, 0)))
    args.append(mask)
    wlist = [w0, b0, g0, be0, w1, b1, g1, be1, w2, b2]
    for w in wlist:
        in_specs.append(full(w))
        args.append(w)
    c_out = w2.shape[1]
    return pl.pallas_call(
        body,
        grid=(grid,),
        in_specs=in_specs,
        out_specs=pl.BlockSpec((cblk, c_out), lambda i: (i, 0)),
        out_shape=jax.ShapeDtypeStruct((n_centers, c_out), jnp.float32),
    )(*args)


def _mlp2_fused_call(x1, nbr, rel, mask, ws, n_centers, cblk, n_src):
    rows_blk = cblk * KNBR
    grid = n_centers // cblk
    bpc = (n_centers // BB) // cblk
    (w0, b0, g0, be0), (w1, b1, g1, be1), (w2, b2) = ws

    def body(x1_ref, nbr_ref, rel_ref, mask_ref, w0_r, b0_r, g0_r, be0_r,
             w1_r, b1_r, g1_r, be1_r, w2_r, b2_r, out_ref):
        nbr3 = nbr_ref[...][:, :, None]
        jidx = lax.broadcasted_iota(jnp.int32, (cblk, KNBR, n_src), 2)
        onehot = jnp.where(nbr3 == jidx, 1.0, 0.0).reshape(rows_blk, n_src)
        xg = _mm(onehot, x1_ref[...])
        x = jnp.concatenate([xg, rel_ref[...]], axis=1)
        h = _mm(x, w0_r[...]) + b0_r[...]
        h = jnp.maximum(g0_r[...] * (h * _BN_SC) + be0_r[...], 0.0)
        h = _mm(h, w1_r[...]) + b1_r[...]
        h = jnp.maximum(g1_r[...] * (h * _BN_SC) + be1_r[...], 0.0)
        h = _mm(h, w2_r[...]) + b2_r[...]
        c_out = h.shape[-1]
        h = h.reshape(cblk, KNBR, c_out) + mask_ref[...][:, :, None]
        out_ref[...] = jnp.max(h, axis=1)

    full = lambda a: pl.BlockSpec(a.shape, lambda i: (0,) * a.ndim)
    in_specs = [
        pl.BlockSpec((n_src, x1.shape[1]), lambda i: (i // bpc, 0)),
        pl.BlockSpec((cblk, KNBR), lambda i: (i, 0)),
        pl.BlockSpec((rows_blk, 3), lambda i: (i, 0)),
        pl.BlockSpec((cblk, KNBR), lambda i: (i, 0)),
    ]
    args = [x1, nbr, rel, mask]
    for w in [w0, b0, g0, be0, w1, b1, g1, be1, w2, b2]:
        in_specs.append(full(w))
        args.append(w)
    c_out = w2.shape[1]
    return pl.pallas_call(
        body,
        grid=(grid,),
        in_specs=in_specs,
        out_specs=pl.BlockSpec((cblk, c_out), lambda i: (i, 0)),
        out_shape=jax.ShapeDtypeStruct((n_centers, c_out), jnp.float32),
    )(*args)


def _head_call(x2, p2, w3s, wpi, wval):
    npts = x2.shape[0] // BB
    (w0, b0, g0, be0), (w1, b1, g1, be1), (w2, b2) = w3s
    (p0, pb0), (p1, pb1), (p2w, pb2) = wpi
    (v0, vb0), (v1, vb1), (v2, vb2) = wval

    def body(x2_ref, p2_ref, w0_r, b0_r, g0_r, be0_r, w1_r, b1_r, g1_r,
             be1_r, w2_r, b2_r,
             p0_r, pb0_r, p1_r, pb1_r, p2_r, pb2_r,
             v0_r, vb0_r, v1_r, vb1_r, v2_r, vb2_r,
             probs_ref, val_ref):
        x = jnp.concatenate([x2_ref[...], p2_ref[...]], axis=1)
        h = _mm(x, w0_r[...]) + b0_r[...]
        h = jnp.maximum(g0_r[...] * (h * _BN_SC) + be0_r[...], 0.0)
        h = _mm(h, w1_r[...]) + b1_r[...]
        h = jnp.maximum(g1_r[...] * (h * _BN_SC) + be1_r[...], 0.0)
        h = _mm(h, w2_r[...]) + b2_r[...]
        feats = jnp.max(h.reshape(BB, npts, h.shape[-1]), axis=1)
        g = _mm(feats, p0_r[...]) + pb0_r[...]
        g = _mm(g, p1_r[...]) + pb1_r[...]
        logits = _mm(g, p2_r[...]) + pb2_r[...]
        mlog = jnp.max(logits, axis=1, keepdims=True)
        e = jnp.exp(logits - mlog)
        probs_ref[...] = e / jnp.sum(e, axis=1, keepdims=True)
        v = _mm(feats, v0_r[...]) + vb0_r[...]
        v = _mm(v, v1_r[...]) + vb1_r[...]
        val_ref[...] = _mm(v, v2_r[...]) + vb2_r[...]

    args = [x2, p2, w0, b0, g0, be0, w1, b1, g1, be1, w2, b2,
            p0, pb0, p1, pb1, p2w, pb2, v0, vb0, v1, vb1, v2, vb2]
    return pl.pallas_call(
        body,
        out_shape=(jax.ShapeDtypeStruct((BB, 10), jnp.float32),
                   jax.ShapeDtypeStruct((BB, 1), jnp.float32)),
    )(*args)



def _bn_params(p):
    out = []
    for i in range(3):
        w, b = p["Ws"][i], p["bs"][i]
        if i < 2:
            out.append((w, b[None, :], p["gammas"][i][None, :],
                        p["betas"][i][None, :]))
        else:
            out.append((w, b[None, :]))
    return out



@jax.jit
def kernel(pos, batch, params):
    del batch
    pos_t = pos.reshape(BB, NPTS, 3).transpose(0, 2, 1)

    c1 = _fps_call(pos_t, NPTS, NPTS // 2)
    c1_t = c1.transpose(1, 2, 0)
    rel1, mask1 = _group_call(pos_t, c1_t, NPTS, 512, 0.2, False)

    c2 = _fps_call(c1_t, 512, 128)
    c2_t = c2.transpose(1, 2, 0)
    rel2, mask2, nbr2 = _group_call(c1_t, c2_t, 512, 128, 0.4, True)

    x1 = _mlp_pool_call(
        None, rel1.reshape(BB * 512 * KNBR, 3),
        mask1.reshape(BB * 512, KNBR),
        _bn_params(params["sa1"]), BB * 512, 256)

    x2 = _mlp2_fused_call(
        x1, nbr2.reshape(BB * 128, KNBR),
        rel2.reshape(BB * 128 * KNBR, 3),
        mask2.reshape(BB * 128, KNBR),
        _bn_params(params["sa2"]), BB * 128, 64, 512)

    ws3 = _bn_params(params["sa3"])
    wpi = [(w, b[None, :]) for w, b in
           zip(params["pi"]["Ws"], params["pi"]["bs"])]
    wval = [(w, b[None, :]) for w, b in
            zip(params["value"]["Ws"], params["value"]["bs"])]
    p2f = c2.transpose(1, 0, 2).reshape(BB * 128, 3)
    probs, value = _head_call(x2, p2f, ws3, wpi, wval)
    return probs, value[:, 0]

# --- scband reference (transcript-rebuilt; emitter-appended) ---
"""Pipeline reference for scband-point-net-pg-model-70102456205866 (READ-ONLY COPY).

The authoritative reference and input builder live on the scoring server;
editing this copy changes nothing except your own understanding.
"""

import jax, jax.numpy as jnp
import numpy as np

B, N, D = 16, 1024, 3
K = 64
N_ACTIONS = 10
_BN_SCALE = 1.0 / np.sqrt(1.0 + 1e-5)


def _init_mlp(key, dims, with_bn):
    Ws, bs, gs, betas = [], [], [], []
    for i in range(len(dims) - 1):
        key, k1 = jax.random.split(key)
        Ws.append(jax.random.normal(k1, (dims[i], dims[i + 1]), dtype=jnp.float32) / np.sqrt(dims[i]))
        bs.append(jnp.zeros((dims[i + 1],), jnp.float32))
        if with_bn and i < len(dims) - 2:
            gs.append(jnp.ones((dims[i + 1],), jnp.float32))
            betas.append(jnp.zeros((dims[i + 1],), jnp.float32))
    p = {"Ws": Ws, "bs": bs}
    if with_bn:
        p["gammas"] = gs
        p["betas"] = betas
    return p


def setup_inputs(seed: int = 0):
    key = jax.random.key(seed)
    kpos, kp = jax.random.split(key)
    pos = jax.random.uniform(kpos, (B * N, D), dtype=jnp.float32)
    batch = (jnp.arange(B * N) // N).astype(jnp.int32)
    params = {
        "sa1": _init_mlp(jax.random.fold_in(kp, 1), [3, 64, 64, 128], True),
        "sa2": _init_mlp(jax.random.fold_in(kp, 2), [131, 128, 128, 256], True),
        "sa3": _init_mlp(jax.random.fold_in(kp, 3), [259, 256, 512, 1024], True),
        "pi": _init_mlp(jax.random.fold_in(kp, 4), [1024, 512, 256, N_ACTIONS], False),
        "value": _init_mlp(jax.random.fold_in(kp, 5), [1024, 512, 256, 1], False),
    }
    return {"pos": pos, "batch": batch, "params": params}


def _mlp_bn(p, x):
    nL = len(p["Ws"])
    for i in range(nL):
        x = x @ p["Ws"][i] + p["bs"][i]
        if i < nL - 1:
            x = p["gammas"][i] * (x * _BN_SCALE) + p["betas"][i]
            x = jax.nn.relu(x)
    return x


def _mlp_plain(p, x):
    for W, b in zip(p["Ws"], p["bs"]):
        x = x @ W + b
    return x


def _fps(pos, n_sel):
    pos = jax.lax.stop_gradient(pos)
    n = pos.shape[0]

    def step(carry, _):
        dists, last = carry
        d = jnp.sum((pos - pos[last][None, :]) ** 2, axis=-1)
        dists = jnp.minimum(dists, d)
        nxt = jnp.argmax(dists).astype(jnp.int32)
        return (dists, nxt), nxt

    _, rest = jax.lax.scan(step, (jnp.full((n,), jnp.inf, jnp.float32), jnp.int32(0)), None, length=n_sel - 1)
    return jnp.concatenate([jnp.zeros((1,), jnp.int32), rest])


def _radius_group(pos_src, centers, r, k):
    n = pos_src.shape[0]
    d2 = jnp.sum((centers[:, None, :] - pos_src[None, :, :]) ** 2, axis=-1)
    ok = d2 <= r * r
    order = jnp.where(ok, jnp.arange(n)[None, :], n)
    sel = jnp.argsort(order, axis=1)[:, :k]
    valid = jnp.take_along_axis(order, sel, axis=1) < n
    return sel, valid


def _sa(p, x, pos, ratio, r):
    n = pos.shape[0]
    n_sel = int(n * ratio)
    idx = _fps(pos, n_sel)
    centers = pos[idx]
    nbr, valid = _radius_group(pos, centers, r, K)
    rel = pos[nbr] - centers[:, None, :]
    feat = rel if x is None else jnp.concatenate([x[nbr], rel], axis=-1)
    h = _mlp_bn(p, feat)
    h = jnp.where(valid[:, :, None], h, -1e30)
    return jnp.max(h, axis=1), centers


def _forward(pos, params):
    pos_b = pos.reshape(B, N, D)

    def per_cloud(pc):
        x1, p1 = _sa(params["sa1"], None, pc, 0.5, 0.2)
        x2, p2 = _sa(params["sa2"], x1, p1, 0.25, 0.4)
        g = _mlp_bn(params["sa3"], jnp.concatenate([x2, p2], axis=-1))
        return jnp.max(g, axis=0)

    feats = jax.vmap(per_cloud)(pos_b)
    logits = _mlp_plain(params["pi"], feats)
    probs = jax.nn.softmax(logits, axis=-1)
    value = _mlp_plain(params["value"], feats)[:, 0]
    return probs, value


def reference(pos, batch, params):
    return _forward(pos, params)

if __name__ == "__main__":
    import jax
    _d = setup_inputs()
    print(jax.jit(kernel)(*tuple(_d.values())))

</pallas_src>

<mosaic_0001>
#map = affine_map<(d0, d1) -> (0, 0)>
module attributes {stable_mosaic.version = 14 : i64} {
  func.func @body(%arg0: i32, %arg1: i32, %arg2: memref<16x1024xf32, #tpu.memory_space<hbm>>, %arg3: memref<16x1024xf32, #tpu.memory_space<hbm>>, %arg4: memref<16x1024xf32, #tpu.memory_space<hbm>>, %arg5: memref<16x512xf32, #tpu.memory_space<hbm>>, %arg6: memref<16x512xf32, #tpu.memory_space<hbm>>, %arg7: memref<16x512xf32, #tpu.memory_space<hbm>>, %arg8: memref<16x98304xf32, #tpu.memory_space<hbm>>, %arg9: memref<16x32768xf32, #tpu.memory_space<hbm>>, %arg10: memref<1024xf32, #tpu.memory_space<vmem>>, %arg11: memref<1024xf32, #tpu.memory_space<vmem>>, %arg12: memref<1024xf32, #tpu.memory_space<vmem>>, %arg13: memref<256xf32, #tpu.memory_space<vmem>>, %arg14: memref<256xf32, #tpu.memory_space<vmem>>, %arg15: memref<256xf32, #tpu.memory_space<vmem>>, %arg16: memref<49152xf32, #tpu.memory_space<vmem>>, %arg17: memref<16384xf32, #tpu.memory_space<vmem>>) attributes {dimension_semantics = [#tpu.dimension_semantics<core_parallel>, #tpu.dimension_semantics<subcore_parallel>], iteration_bounds = array<i64: 2, 16>, scalar_prefetch = 0 : i64, scratch_operands = 8 : i64, tpu.core_type = #tpu.core_type<sc_vector_subcore>, window_params = [{transform_indices = #map}, {transform_indices = #map}, {transform_indices = #map}, {transform_indices = #map}, {transform_indices = #map}, {transform_indices = #map}, {transform_indices = #map}, {transform_indices = #map}]} {
    %mul3A = arith.constant 2 : i32
    %mul3A_0 = arith.muli %arg1, %mul3A : i32
    %add3A = arith.addi %mul3A_0, %arg0 : i32
    %jit3A = arith.constant 2 : i32
    %div3A = arith.divsi %add3A, %jit3A : i32
    %sign3A = arith.constant 0 : i32
    %sign3A_1 = arith.cmpi sgt, %add3A, %sign3A : i32
    %sign3A_2 = arith.extui %sign3A_1 : i1 to i32
    %sign3A_3 = arith.constant 0 : i32
    %sign3A_4 = arith.cmpi slt, %add3A, %sign3A_3 : i32
    %sign3A_5 = arith.extui %sign3A_4 : i1 to i32
    %sign3A_6 = arith.subi %sign3A_2, %sign3A_5 : i32
    %sign3A_7 = arith.constant 0 : i32
    %sign3A_8 = arith.cmpi sgt, %jit3A, %sign3A_7 : i32
    %sign3A_9 = arith.extui %sign3A_8 : i1 to i32
    %sign3A_10 = arith.constant 0 : i32
    %sign3A_11 = arith.cmpi slt, %jit3A, %sign3A_10 : i32
    %sign3A_12 = arith.extui %sign3A_11 : i1 to i32
    %sign3A_13 = arith.subi %sign3A_9, %sign3A_12 : i32
    %ne3A = arith.cmpi ne, %sign3A_6, %sign3A_13 : i32
    %rem3A = arith.remsi %add3A, %jit3A : i32
    %ne3A_14 = arith.constant 0 : i32
    %ne3A_15 = arith.cmpi ne, %rem3A, %ne3A_14 : i32
    %and3A = arith.andi %ne3A, %ne3A_15 : i1
    %sub3A = arith.constant 1 : i32
    %sub3A_16 = arith.subi %div3A, %sub3A : i32
    %select_n3A = arith.select %and3A, %sub3A_16, %div3A : i32
    %jit3A_17 = arith.constant 2 : i32
    %eq3A = arith.constant 0 : i32
    %eq3A_18 = arith.cmpi eq, %jit3A_17, %eq3A : i32
    %jit3A_19 = arith.constant 1 : i32
    %select_n3A_20 = arith.select %eq3A_18, %jit3A_19, %jit3A_17 : i32
    %rem3A_21 = arith.remsi %add3A, %select_n3A_20 : i32
    %ne3A_22 = arith.constant 0 : i32
    %ne3A_23 = arith.cmpi ne, %rem3A_21, %ne3A_22 : i32
    %lt3A = arith.constant 0 : i32
    %lt3A_24 = arith.cmpi slt, %rem3A_21, %lt3A : i32
    %lt3A_25 = arith.constant 0 : i32
    %lt3A_26 = arith.cmpi slt, %select_n3A_20, %lt3A_25 : i32
    %ne3A_27 = arith.xori %lt3A_24, %lt3A_26 : i1
    %and3A_28 = arith.andi %ne3A_27, %ne3A_23 : i1
    %add3A_29 = arith.addi %rem3A_21, %select_n3A_20 : i32
    %select_n3A_30 = arith.select %and3A_28, %add3A_29, %rem3A_21 : i32
    %mul3A_31 = arith.constant 256 : i32
    %mul3A_32 = arith.muli %select_n3A_30, %mul3A_31 : i32
    "tpu.region"() ({
      %run_scoped3A = tpu.sem_alloc : memref<!tpu.dma_semaphore, #tpu.memory_space<semaphore_mem>>
      %dma_start3A = arith.constant 0 : i32
      %dma_start3A_62 = tpu.memref_slice %arg2[%select_n3A, %dma_start3A] : memref<16x1024xf32, #tpu.memory_space<hbm>> -> memref<1x1024xf32, #tpu.memory_space<hbm>>
      %dma_start3A_63 = tpu.memref_squeeze %dma_start3A_62 : memref<1x1024xf32, #tpu.memory_space<hbm>> -> memref<1024xf32, #tpu.memory_space<hbm>>
      %dma_start3A_64 = arith.constant 0 : i32
      %dma_start3A_65 = tpu.memref_slice %arg2[%select_n3A, %dma_start3A_64] : memref<16x1024xf32, #tpu.memory_space<hbm>> -> memref<1x1024xf32, #tpu.memory_space<hbm>>
      %dma_start3A_66 = tpu.memref_squeeze %dma_start3A_65 : memref<1x1024xf32, #tpu.memory_space<hbm>> -> memref<1024xf32, #tpu.memory_space<hbm>>
      tpu.enqueue_dma source(%dma_start3A_66 : memref<1024xf32, #tpu.memory_space<hbm>>) target(%arg10 : memref<1024xf32, #tpu.memory_space<vmem>>) target_semaphore(%run_scoped3A : memref<!tpu.dma_semaphore, #tpu.memory_space<semaphore_mem>>)
      %dma_wait3A = arith.constant 0 : i32
      %dma_wait3A_67 = tpu.memref_slice %arg2[%select_n3A, %dma_wait3A] : memref<16x1024xf32, #tpu.memory_space<hbm>> -> memref<1x1024xf32, #tpu.memory_space<hbm>>
      %dma_wait3A_68 = tpu.memref_squeeze %dma_wait3A_67 : memref<1x1024xf32, #tpu.memory_space<hbm>> -> memref<1024xf32, #tpu.memory_space<hbm>>
      %dma_wait3A_69 = arith.constant 0 : i32
      %dma_wait3A_70 = tpu.memref_slice %arg2[%select_n3A, %dma_wait3A_69] : memref<16x1024xf32, #tpu.memory_space<hbm>> -> memref<1x1024xf32, #tpu.memory_space<hbm>>
      %dma_wait3A_71 = tpu.memref_squeeze %dma_wait3A_70 : memref<1x1024xf32, #tpu.memory_space<hbm>> -> memref<1024xf32, #tpu.memory_space<hbm>>
      tpu.wait_dma2 semaphore(%run_scoped3A : memref<!tpu.dma_semaphore, #tpu.memory_space<semaphore_mem>>) src(%dma_wait3A_71 : memref<1024xf32, #tpu.memory_space<hbm>>) dst(%arg10 : memref<1024xf32, #tpu.memory_space<vmem>>)
      tpu.yield
    }) : () -> ()
    "tpu.region"() ({
      %run_scoped3A = tpu.sem_alloc : memref<!tpu.dma_semaphore, #tpu.memory_space<semaphore_mem>>
      %dma_start3A = arith.constant 0 : i32
      %dma_start3A_62 = tpu.memref_slice %arg3[%select_n3A, %dma_start3A] : memref<16x1024xf32, #tpu.memory_space<hbm>> -> memref<1x1024xf32, #tpu.memory_space<hbm>>
      %dma_start3A_63 = tpu.memref_squeeze %dma_start3A_62 : memref<1x1024xf32, #tpu.memory_space<hbm>> -> memref<1024xf32, #tpu.memory_space<hbm>>
      %dma_start3A_64 = arith.constant 0 : i32
      %dma_start3A_65 = tpu.memref_slice %arg3[%select_n3A, %dma_start3A_64] : memref<16x1024xf32, #tpu.memory_space<hbm>> -> memref<1x1024xf32, #tpu.memory_space<hbm>>
      %dma_start3A_66 = tpu.memref_squeeze %dma_start3A_65 : memref<1x1024xf32, #tpu.memory_space<hbm>> -> memref<1024xf32, #tpu.memory_space<hbm>>
      tpu.enqueue_dma source(%dma_start3A_66 : memref<1024xf32, #tpu.memory_space<hbm>>) target(%arg11 : memref<1024xf32, #tpu.memory_space<vmem>>) target_semaphore(%run_scoped3A : memref<!tpu.dma_semaphore, #tpu.memory_space<semaphore_mem>>)
      %dma_wait3A = arith.constant 0 : i32
      %dma_wait3A_67 = tpu.memref_slice %arg3[%select_n3A, %dma_wait3A] : memref<16x1024xf32, #tpu.memory_space<hbm>> -> memref<1x1024xf32, #tpu.memory_space<hbm>>
      %dma_wait3A_68 = tpu.memref_squeeze %dma_wait3A_67 : memref<1x1024xf32, #tpu.memory_space<hbm>> -> memref<1024xf32, #tpu.memory_space<hbm>>
      %dma_wait3A_69 = arith.constant 0 : i32
      %dma_wait3A_70 = tpu.memref_slice %arg3[%select_n3A, %dma_wait3A_69] : memref<16x1024xf32, #tpu.memory_space<hbm>> -> memref<1x1024xf32, #tpu.memory_space<hbm>>
      %dma_wait3A_71 = tpu.memref_squeeze %dma_wait3A_70 : memref<1x1024xf32, #tpu.memory_space<hbm>> -> memref<1024xf32, #tpu.memory_space<hbm>>
      tpu.wait_dma2 semaphore(%run_scoped3A : memref<!tpu.dma_semaphore, #tpu.memory_space<semaphore_mem>>) src(%dma_wait3A_71 : memref<1024xf32, #tpu.memory_space<hbm>>) dst(%arg11 : memref<1024xf32, #tpu.memory_space<vmem>>)
      tpu.yield
    }) : () -> ()
    "tpu.region"() ({
      %run_scoped3A = tpu.sem_alloc : memref<!tpu.dma_semaphore, #tpu.memory_space<semaphore_mem>>
      %dma_start3A = arith.constant 0 : i32
      %dma_start3A_62 = tpu.memref_slice %arg4[%select_n3A, %dma_start3A] : memref<16x1024xf32, #tpu.memory_space<hbm>> -> memref<1x1024xf32, #tpu.memory_space<hbm>>
      %dma_start3A_63 = tpu.memref_squeeze %dma_start3A_62 : memref<1x1024xf32, #tpu.memory_space<hbm>> -> memref<1024xf32, #tpu.memory_space<hbm>>
      %dma_start3A_64 = arith.constant 0 : i32
      %dma_start3A_65 = tpu.memref_slice %arg4[%select_n3A, %dma_start3A_64] : memref<16x1024xf32, #tpu.memory_space<hbm>> -> memref<1x1024xf32, #tpu.memory_space<hbm>>
      %dma_start3A_66 = tpu.memref_squeeze %dma_start3A_65 : memref<1x1024xf32, #tpu.memory_space<hbm>> -> memref<1024xf32, #tpu.memory_space<hbm>>
      tpu.enqueue_dma source(%dma_start3A_66 : memref<1024xf32, #tpu.memory_space<hbm>>) target(%arg12 : memref<1024xf32, #tpu.memory_space<vmem>>) target_semaphore(%run_scoped3A : memref<!tpu.dma_semaphore, #tpu.memory_space<semaphore_mem>>)
      %dma_wait3A = arith.constant 0 : i32
      %dma_wait3A_67 = tpu.memref_slice %arg4[%select_n3A, %dma_wait3A] : memref<16x1024xf32, #tpu.memory_space<hbm>> -> memref<1x1024xf32, #tpu.memory_space<hbm>>
      %dma_wait3A_68 = tpu.memref_squeeze %dma_wait3A_67 : memref<1x1024xf32, #tpu.memory_space<hbm>> -> memref<1024xf32, #tpu.memory_space<hbm>>
      %dma_wait3A_69 = arith.constant 0 : i32
      %dma_wait3A_70 = tpu.memref_slice %arg4[%select_n3A, %dma_wait3A_69] : memref<16x1024xf32, #tpu.memory_space<hbm>> -> memref<1x1024xf32, #tpu.memory_space<hbm>>
      %dma_wait3A_71 = tpu.memref_squeeze %dma_wait3A_70 : memref<1x1024xf32, #tpu.memory_space<hbm>> -> memref<1024xf32, #tpu.memory_space<hbm>>
      tpu.wait_dma2 semaphore(%run_scoped3A : memref<!tpu.dma_semaphore, #tpu.memory_space<semaphore_mem>>) src(%dma_wait3A_71 : memref<1024xf32, #tpu.memory_space<hbm>>) dst(%arg12 : memref<1024xf32, #tpu.memory_space<vmem>>)
      tpu.yield
    }) : () -> ()
    "tpu.region"() ({
      %run_scoped3A = tpu.sem_alloc : memref<!tpu.dma_semaphore, #tpu.memory_space<semaphore_mem>>
      %dma_start3A = tpu.memref_slice %arg5[%select_n3A, %mul3A_32] : memref<16x512xf32, #tpu.memory_space<hbm>> -> memref<1x256xf32, #tpu.memory_space<hbm>>
      %dma_start3A_62 = tpu.memref_squeeze %dma_start3A : memref<1x256xf32, #tpu.memory_space<hbm>> -> memref<256xf32, #tpu.memory_space<hbm>>
      %dma_start3A_63 = tpu.memref_slice %arg5[%select_n3A, %mul3A_32] : memref<16x512xf32, #tpu.memory_space<hbm>> -> memref<1x256xf32, #tpu.memory_space<hbm>>
      %dma_start3A_64 = tpu.memref_squeeze %dma_start3A_63 : memref<1x256xf32, #tpu.memory_space<hbm>> -> memref<256xf32, #tpu.memory_space<hbm>>
      tpu.enqueue_dma source(%dma_start3A_64 : memref<256xf32, #tpu.memory_space<hbm>>) target(%arg13 : memref<256xf32, #tpu.memory_space<vmem>>) target_semaphore(%run_scoped3A : memref<!tpu.dma_semaphore, #tpu.memory_space<semaphore_mem>>)
      %dma_wait3A = tpu.memref_slice %arg5[%select_n3A, %mul3A_32] : memref<16x512xf32, #tpu.memory_space<hbm>> -> memref<1x256xf32, #tpu.memory_space<hbm>>
      %dma_wait3A_65 = tpu.memref_squeeze %dma_wait3A : memref<1x256xf32, #tpu.memory_space<hbm>> -> memref<256xf32, #tpu.memory_space<hbm>>
      %dma_wait3A_66 = tpu.memref_slice %arg5[%select_n3A, %mul3A_32] : memref<16x512xf32, #tpu.memory_space<hbm>> -> memref<1x256xf32, #tpu.memory_space<hbm>>
      %dma_wait3A_67 = tpu.memref_squeeze %dma_wait3A_66 : memref<1x256xf32, #tpu.memory_space<hbm>> -> memref<256xf32, #tpu.memory_space<hbm>>
      tpu.wait_dma2 semaphore(%run_scoped3A : memref<!tpu.dma_semaphore, #tpu.memory_space<semaphore_mem>>) src(%dma_wait3A_67 : memref<256xf32, #tpu.memory_space<hbm>>) dst(%arg13 : memref<256xf32, #tpu.memory_space<vmem>>)
      tpu.yield
    }) : () -> ()
    "tpu.region"() ({
      %run_scoped3A = tpu.sem_alloc : memref<!tpu.dma_semaphore, #tpu.memory_space<semaphore_mem>>
      %dma_start3A = tpu.memref_slice %arg6[%select_n3A, %mul3A_32] : memref<16x512xf32, #tpu.memory_space<hbm>> -> memref<1x256xf32, #tpu.memory_space<hbm>>
      %dma_start3A_62 = tpu.memref_squeeze %dma_start3A : memref<1x256xf32, #tpu.memory_space<hbm>> -> memref<256xf32, #tpu.memory_space<hbm>>
      %dma_start3A_63 = tpu.memref_slice %arg6[%select_n3A, %mul3A_32] : memref<16x512xf32, #tpu.memory_space<hbm>> -> memref<1x256xf32, #tpu.memory_space<hbm>>
      %dma_start3A_64 = tpu.memref_squeeze %dma_start3A_63 : memref<1x256xf32, #tpu.memory_space<hbm>> -> memref<256xf32, #tpu.memory_space<hbm>>
      tpu.enqueue_dma source(%dma_start3A_64 : memref<256xf32, #tpu.memory_space<hbm>>) target(%arg14 : memref<256xf32, #tpu.memory_space<vmem>>) target_semaphore(%run_scoped3A : memref<!tpu.dma_semaphore, #tpu.memory_space<semaphore_mem>>)
      %dma_wait3A = tpu.memref_slice %arg6[%select_n3A, %mul3A_32] : memref<16x512xf32, #tpu.memory_space<hbm>> -> memref<1x256xf32, #tpu.memory_space<hbm>>
      %dma_wait3A_65 = tpu.memref_squeeze %dma_wait3A : memref<1x256xf32, #tpu.memory_space<hbm>> -> memref<256xf32, #tpu.memory_space<hbm>>
      %dma_wait3A_66 = tpu.memref_slice %arg6[%select_n3A, %mul3A_32] : memref<16x512xf32, #tpu.memory_space<hbm>> -> memref<1x256xf32, #tpu.memory_space<hbm>>
      %dma_wait3A_67 = tpu.memref_squeeze %dma_wait3A_66 : memref<1x256xf32, #tpu.memory_space<hbm>> -> memref<256xf32, #tpu.memory_space<hbm>>
      tpu.wait_dma2 semaphore(%run_scoped3A : memref<!tpu.dma_semaphore, #tpu.memory_space<semaphore_mem>>) src(%dma_wait3A_67 : memref<256xf32, #tpu.memory_space<hbm>>) dst(%arg14 : memref<256xf32, #tpu.memory_space<vmem>>)
      tpu.yield
    }) : () -> ()
    "tpu.region"() ({
      %run_scoped3A = tpu.sem_alloc : memref<!tpu.dma_semaphore, #tpu.memory_space<semaphore_mem>>
      %dma_start3A = tpu.memref_slice %arg7[%select_n3A, %mul3A_32] : memref<16x512xf32, #tpu.memory_space<hbm>> -> memref<1x256xf32, #tpu.memory_space<hbm>>
      %dma_start3A_62 = tpu.memref_squeeze %dma_start3A : memref<1x256xf32, #tpu.memory_space<hbm>> -> memref<256xf32, #tpu.memory_space<hbm>>
      %dma_start3A_63 = tpu.memref_slice %arg7[%select_n3A, %mul3A_32] : memref<16x512xf32, #tpu.memory_space<hbm>> -> memref<1x256xf32, #tpu.memory_space<hbm>>
      %dma_start3A_64 = tpu.memref_squeeze %dma_start3A_63 : memref<1x256xf32, #tpu.memory_space<hbm>> -> memref<256xf32, #tpu.memory_space<hbm>>
      tpu.enqueue_dma source(%dma_start3A_64 : memref<256xf32, #tpu.memory_space<hbm>>) target(%arg15 : memref<256xf32, #tpu.memory_space<vmem>>) target_semaphore(%run_scoped3A : memref<!tpu.dma_semaphore, #tpu.memory_space<semaphore_mem>>)
      %dma_wait3A = tpu.memref_slice %arg7[%select_n3A, %mul3A_32] : memref<16x512xf32, #tpu.memory_space<hbm>> -> memref<1x256xf32, #tpu.memory_space<hbm>>
      %dma_wait3A_65 = tpu.memref_squeeze %dma_wait3A : memref<1x256xf32, #tpu.memory_space<hbm>> -> memref<256xf32, #tpu.memory_space<hbm>>
      %dma_wait3A_66 = tpu.memref_slice %arg7[%select_n3A, %mul3A_32] : memref<16x512xf32, #tpu.memory_space<hbm>> -> memref<1x256xf32, #tpu.memory_space<hbm>>
      %dma_wait3A_67 = tpu.memref_squeeze %dma_wait3A_66 : memref<1x256xf32, #tpu.memory_space<hbm>> -> memref<256xf32, #tpu.memory_space<hbm>>
      tpu.wait_dma2 semaphore(%run_scoped3A : memref<!tpu.dma_semaphore, #tpu.memory_space<semaphore_mem>>) src(%dma_wait3A_67 : memref<256xf32, #tpu.memory_space<hbm>>) dst(%arg15 : memref<256xf32, #tpu.memory_space<vmem>>)
      tpu.yield
    }) : () -> ()
    %broadcast_in_dim3A = arith.constant 0.000000e+00 : f32
    %broadcast_in_dim3A_33 = vector.broadcast %broadcast_in_dim3A : f32 to vector<16xf32>
    %broadcast_in_dim3A_34 = arith.constant -1.000000e+30 : f32
    %broadcast_in_dim3A_35 = vector.broadcast %broadcast_in_dim3A_34 : f32 to vector<16xf32>
    %broadcast_in_dim3A_36 = arith.constant 0 : i32
    %broadcast_in_dim3A_37 = vector.broadcast %broadcast_in_dim3A_36 : i32 to vector<16xi32>
    %scan3A = arith.constant 0 : i32
    %scan3A_38 = arith.constant 0 : i32
    %scan3A_39 = arith.constant 1024 : i32
    %scan3A_40 = arith.addi %scan3A_38, %scan3A_39 : i32
    %scan3A_41 = arith.constant 1 : i32
    %scan3A_42 = scf.for %scan3A_62 = %scan3A_38 to %scan3A_40 step %scan3A_41 iter_args(%scan3A_63 = %scan3A) -> (i32)  : i32 {
      %mul3A_64 = arith.constant 16 : i32
      %mul3A_65 = arith.muli %scan3A_62, %mul3A_64 : i32
      %swap3A = arith.index_cast %mul3A_65 : i32 to index
      %swap3A_66 = tpu.vector_load %arg17[%swap3A] {strides = array<i32>} : memref<16384xf32, #tpu.memory_space<vmem>>, vector<16xf32>,
      tpu.vector_store %arg17[%swap3A], %broadcast_in_dim3A_35 {strides = array<i32>} : memref<16384xf32, #tpu.memory_space<vmem>>, vector<16xf32>,
      %scan3A_67 = arith.constant 0 : i32
      scf.yield %scan3A_67 : i32
    }
    %scan3A_43 = arith.constant 1024 : i32
    %scan3A_44 = arith.constant 0 : i32
    %scan3A_45 = arith.constant 0 : i32
    %scan3A_46 = arith.constant 3072 : i32
    %scan3A_47 = arith.addi %scan3A_45, %scan3A_46 : i32
    %scan3A_48 = arith.constant 1 : i32
    %scan3A_49 = scf.for %scan3A_62 = %scan3A_45 to %scan3A_47 step %scan3A_48 iter_args(%scan3A_63 = %scan3A_44) -> (i32)  : i32 {
      %mul3A_64 = arith.constant 16 : i32
      %mul3A_65 = arith.muli %scan3A_62, %mul3A_64 : i32
      %swap3A = arith.index_cast %mul3A_65 : i32 to index
      %swap3A_66 = tpu.vector_load %arg16[%swap3A] {strides = array<i32>} : memref<49152xf32, #tpu.memory_space<vmem>>, vector<16xf32>,
      tpu.vector_store %arg16[%swap3A], %broadcast_in_dim3A_33 {strides = array<i32>} : memref<49152xf32, #tpu.memory_space<vmem>>, vector<16xf32>,
      %scan3A_67 = arith.constant 0 : i32
      scf.yield %scan3A_67 : i32
    }
    %scan3A_50 = arith.constant 3072 : i32
    %iota3A = tpu.iota {dimensions = array<i32: 0>} : vector<16xi32>
    %scan3A_51 = arith.constant 0 : i32
    %scan3A_52 = arith.constant 0 : i32
    %scan3A_53 = arith.constant 16 : i32
    %scan3A_54 = arith.addi %scan3A_52, %scan3A_53 : i32
    %scan3A_55 = arith.constant 1 : i32
    %scan3A_56 = scf.for %scan3A_62 = %scan3A_52 to %scan3A_54 step %scan3A_55 iter_args(%scan3A_63 = %scan3A_51) -> (i32)  : i32 {
      %mul3A_64 = arith.constant 16 : i32
      %mul3A_65 = arith.muli %scan3A_62, %mul3A_64 : i32
      %get3A = arith.index_cast %mul3A_65 : i32 to index
      %get3A_66 = tpu.vector_load %arg13[%get3A] {strides = array<i32>} : memref<256xf32, #tpu.memory_space<vmem>>, vector<16xf32>,
      %mul3A_67 = arith.constant 16 : i32
      %mul3A_68 = arith.muli %scan3A_62, %mul3A_67 : i32
      %get3A_69 = arith.index_cast %mul3A_68 : i32 to index
      %get3A_70 = tpu.vector_load %arg14[%get3A_69] {strides = array<i32>} : memref<256xf32, #tpu.memory_space<vmem>>, vector<16xf32>,
      %mul3A_71 = arith.constant 16 : i32
      %mul3A_72 = arith.muli %scan3A_62, %mul3A_71 : i32
      %get3A_73 = arith.index_cast %mul3A_72 : i32 to index
      %get3A_74 = tpu.vector_load %arg15[%get3A_73] {strides = array<i32>} : memref<256xf32, #tpu.memory_space<vmem>>, vector<16xf32>,
      %mul3A_75 = arith.constant 16 : i32
      %mul3A_76 = arith.muli %scan3A_62, %mul3A_75 : i32
      %add3A_77 = vector.broadcast %mul3A_76 : i32 to vector<16xi32>
      %add3A_78 = arith.addi %add3A_77, %iota3A : vector<16xi32>
      %mul3A_79 = arith.constant 64 : i32
      %mul3A_80 = vector.broadcast %mul3A_79 : i32 to vector<16xi32>
      %mul3A_81 = arith.muli %add3A_78, %mul3A_80 : vector<16xi32>
      %broadcast_in_dim3A_82 = arith.constant 0 : i32
      %broadcast_in_dim3A_83 = vector.broadcast %broadcast_in_dim3A_82 : i32 to vector<16xi32>
      %scan3A_84 = arith.constant 0 : i32
      %scan3A_85 = arith.constant 256 : i32
      %scan3A_86 = arith.addi %scan3A_84, %scan3A_85 : i32
      %scan3A_87 = arith.constant 1 : i32
      %scan3A_88 = scf.for %scan3A_91 = %scan3A_84 to %scan3A_86 step %scan3A_87 iter_args(%scan3A_92 = %broadcast_in_dim3A_83) -> (vector<16xi32>)  : i32 {
        %mul3A_93 = arith.constant 4 : i32
        %mul3A_94 = arith.muli %scan3A_91, %mul3A_93 : i32
        %add3A_95 = arith.constant 0 : i32
        %add3A_96 = arith.addi %mul3A_94, %add3A_95 : i32
        %broadcast_in_dim3A_97 = vector.broadcast %add3A_96 : i32 to vector<16xi32>
        %gather3A = tpu.vector_load_idx %arg10[%broadcast_in_dim3A_97] : memref<1024xf32, #tpu.memory_space<vmem>>[vector<16xi32>], vector<16xf32>,
        %gather3A_98 = tpu.vector_load_idx %arg11[%broadcast_in_dim3A_97] : memref<1024xf32, #tpu.memory_space<vmem>>[vector<16xi32>], vector<16xf32>,
        %gather3A_99 = tpu.vector_load_idx %arg12[%broadcast_in_dim3A_97] : memref<1024xf32, #tpu.memory_space<vmem>>[vector<16xi32>], vector<16xf32>,
        %sub3A_100 = arith.subf %gather3A, %get3A_66 : vector<16xf32>
        %sub3A_101 = arith.subf %gather3A_98, %get3A_70 : vector<16xf32>
        %sub3A_102 = arith.subf %gather3A_99, %get3A_74 : vector<16xf32>
        %mul3A_103 = arith.mulf %sub3A_100, %sub3A_100 : vector<16xf32>
        %mul3A_104 = arith.mulf %sub3A_101, %sub3A_101 : vector<16xf32>
        %add3A_105 = arith.addf %mul3A_103, %mul3A_104 : vector<16xf32>
        %mul3A_106 = arith.mulf %sub3A_102, %sub3A_102 : vector<16xf32>
        %add3A_107 = arith.addf %add3A_105, %mul3A_106 : vector<16xf32>
        %le3A = arith.constant 4.000000e-02 : f32
        %le3A_108 = vector.broadcast %le3A : f32 to vector<16xf32>
        %le3A_109 = arith.cmpf ole, %add3A_107, %le3A_108 : vector<16xf32>
        %lt3A_110 = arith.constant 64 : i32
        %lt3A_111 = vector.broadcast %lt3A_110 : i32 to vector<16xi32>
        %lt3A_112 = arith.cmpi slt, %scan3A_92, %lt3A_111 : vector<16xi32>
        %and3A_113 = arith.andi %le3A_109, %lt3A_112 : vector<16xi1>
        %add3A_114 = arith.addi %mul3A_81, %scan3A_92 : vector<16xi32>
        %mul3A_115 = arith.constant 3 : i32
        %mul3A_116 = vector.broadcast %mul3A_115 : i32 to vector<16xi32>
        %mul3A_117 = arith.muli %add3A_114, %mul3A_116 : vector<16xi32>
        tpu.vector_store_idx %arg16[%mul3A_117], %sub3A_100 masked %and3A_113 : memref<49152xf32, #tpu.memory_space<vmem>>[vector<16xi32>], vector<16xf32>, vector<16xi1>
        %add3A_118 = arith.constant 1 : i32
        %add3A_119 = vector.broadcast %add3A_118 : i32 to vector<16xi32>
        %add3A_120 = arith.addi %mul3A_117, %add3A_119 : vector<16xi32>
        tpu.vector_store_idx %arg16[%add3A_120], %sub3A_101 masked %and3A_113 : memref<49152xf32, #tpu.memory_space<vmem>>[vector<16xi32>], vector<16xf32>, vector<16xi1>
        %add3A_121 = arith.constant 2 : i32
        %add3A_122 = vector.broadcast %add3A_121 : i32 to vector<16xi32>
        %add3A_123 = arith.addi %mul3A_117, %add3A_122 : vector<16xi32>
        tpu.vector_store_idx %arg16[%add3A_123], %sub3A_102 masked %and3A_113 : memref<49152xf32, #tpu.memory_space<vmem>>[vector<16xi32>], vector<16xf32>, vector<16xi1>
        tpu.vector_store_idx %arg17[%add3A_114], %broadcast_in_dim3A_33 masked %and3A_113 : memref<16384xf32, #tpu.memory_space<vmem>>[vector<16xi32>], vector<16xf32>, vector<16xi1>
        %jit3A_124 = arith.constant 1 : i32
        %jit3A_125 = arith.constant 0 : i32
        %broadcast_in_dim3A_126 = vector.broadcast %jit3A_124 : i32 to vector<16xi32>
        %broadcast_in_dim3A_127 = vector.broadcast %jit3A_125 : i32 to vector<16xi32>
        %select_n3A_128 = arith.select %and3A_113, %broadcast_in_dim3A_126, %broadcast_in_dim3A_127 : vector<16xi1>, vector<16xi32>
        %add3A_129 = arith.addi %scan3A_92, %select_n3A_128 : vector<16xi32>
        %mul3A_130 = arith.constant 4 : i32
        %mul3A_131 = arith.muli %scan3A_91, %mul3A_130 : i32
        %add3A_132 = arith.constant 1 : i32
        %add3A_133 = arith.addi %mul3A_131, %add3A_132 : i32
        %broadcast_in_dim3A_134 = vector.broadcast %add3A_133 : i32 to vector<16xi32>
        %gather3A_135 = tpu.vector_load_idx %arg10[%broadcast_in_dim3A_134] : memref<1024xf32, #tpu.memory_space<vmem>>[vector<16xi32>], vector<16xf32>,
        %gather3A_136 = tpu.vector_load_idx %arg11[%broadcast_in_dim3A_134] : memref<1024xf32, #tpu.memory_space<vmem>>[vector<16xi32>], vector<16xf32>,
        %gather3A_137 = tpu.vector_load_idx %arg12[%broadcast_in_dim3A_134] : memref<1024xf32, #tpu.memory_space<vmem>>[vector<16xi32>], vector<16xf32>,
        %sub3A_138 = arith.subf %gather3A_135, %get3A_66 : vector<16xf32>
        %sub3A_139 = arith.subf %gather3A_136, %get3A_70 : vector<16xf32>
        %sub3A_140 = arith.subf %gather3A_137, %get3A_74 : vector<16xf32>
        %mul3A_141 = arith.mulf %sub3A_138, %sub3A_138 : vector<16xf32>
        %mul3A_142 = arith.mulf %sub3A_139, %sub3A_139 : vector<16xf32>
        %add3A_143 = arith.addf %mul3A_141, %mul3A_142 : vector<16xf32>
        %mul3A_144 = arith.mulf %sub3A_140, %sub3A_140 : vector<16xf32>
        %add3A_145 = arith.addf %add3A_143, %mul3A_144 : vector<16xf32>
        %le3A_146 = arith.constant 4.000000e-02 : f32
        %le3A_147 = vector.broadcast %le3A_146 : f32 to vector<16xf32>
        %le3A_148 = arith.cmpf ole, %add3A_145, %le3A_147 : vector<16xf32>
        %lt3A_149 = arith.constant 64 : i32
        %lt3A_150 = vector.broadcast %lt3A_149 : i32 to vector<16xi32>
        %lt3A_151 = arith.cmpi slt, %add3A_129, %lt3A_150 : vector<16xi32>
        %and3A_152 = arith.andi %le3A_148, %lt3A_151 : vector<16xi1>
        %add3A_153 = arith.addi %mul3A_81, %add3A_129 : vector<16xi32>
        %mul3A_154 = arith.constant 3 : i32
        %mul3A_155 = vector.broadcast %mul3A_154 : i32 to vector<16xi32>
        %mul3A_156 = arith.muli %add3A_153, %mul3A_155 : vector<16xi32>
        tpu.vector_store_idx %arg16[%mul3A_156], %sub3A_138 masked %and3A_152 : memref<49152xf32, #tpu.memory_space<vmem>>[vector<16xi32>], vector<16xf32>, vector<16xi1>
        %add3A_157 = arith.constant 1 : i32
        %add3A_158 = vector.broadcast %add3A_157 : i32 to vector<16xi32>
        %add3A_159 = arith.addi %mul3A_156, %add3A_158 : vector<16xi32>
        tpu.vector_store_idx %arg16[%add3A_159], %sub3A_139 masked %and3A_152 : memref<49152xf32, #tpu.memory_space<vmem>>[vector<16xi32>], vector<16xf32>, vector<16xi1>
        %add3A_160 = arith.constant 2 : i32
        %add3A_161 = vector.broadcast %add3A_160 : i32 to vector<16xi32>
        %add3A_162 = arith.addi %mul3A_156, %add3A_161 : vector<16xi32>
        tpu.vector_store_idx %arg16[%add3A_162], %sub3A_140 masked %and3A_152 : memref<49152xf32, #tpu.memory_space<vmem>>[vector<16xi32>], vector<16xf32>, vector<16xi1>
        tpu.vector_store_idx %arg17[%add3A_153], %broadcast_in_dim3A_33 masked %and3A_152 : memref<16384xf32, #tpu.memory_space<vmem>>[vector<16xi32>], vector<16xf32>, vector<16xi1>
        %jit3A_163 = arith.constant 1 : i32
        %jit3A_164 = arith.constant 0 : i32
        %broadcast_in_dim3A_165 = vector.broadcast %jit3A_163 : i32 to vector<16xi32>
        %broadcast_in_dim3A_166 = vector.broadcast %jit3A_164 : i32 to vector<16xi32>
        %select_n3A_167 = arith.select %and3A_152, %broadcast_in_dim3A_165, %broadcast_in_dim3A_166 : vector<16xi1>, vector<16xi32>
        %add3A_168 = arith.addi %add3A_129, %select_n3A_167 : vector<16xi32>
        %mul3A_169 = arith.constant 4 : i32
        %mul3A_170 = arith.muli %scan3A_91, %mul3A_169 : i32
        %add3A_171 = arith.constant 2 : i32
        %add3A_172 = arith.addi %mul3A_170, %add3A_171 : i32
        %broadcast_in_dim3A_173 = vector.broadcast %add3A_172 : i32 to vector<16xi32>
        %gather3A_174 = tpu.vector_load_idx %arg10[%broadcast_in_dim3A_173] : memref<1024xf32, #tpu.memory_space<vmem>>[vector<16xi32>], vector<16xf32>,
        %gather3A_175 = tpu.vector_load_idx %arg11[%broadcast_in_dim3A_173] : memref<1024xf32, #tpu.memory_space<vmem>>[vector<16xi32>], vector<16xf32>,
        %gather3A_176 = tpu.vector_load_idx %arg12[%broadcast_in_dim3A_173] : memref<1024xf32, #tpu.memory_space<vmem>>[vector<16xi32>], vector<16xf32>,
        %sub3A_177 = arith.subf %gather3A_174, %get3A_66 : vector<16xf32>
        %sub3A_178 = arith.subf %gather3A_175, %get3A_70 : vector<16xf32>
        %sub3A_179 = arith.subf %gather3A_176, %get3A_74 : vector<16xf32>
        %mul3A_180 = arith.mulf %sub3A_177, %sub3A_177 : vector<16xf32>
        %mul3A_181 = arith.mulf %sub3A_178, %sub3A_178 : vector<16xf32>
        %add3A_182 = arith.addf %mul3A_180, %mul3A_181 : vector<16xf32>
        %mul3A_183 = arith.mulf %sub3A_179, %sub3A_179 : vector<16xf32>
        %add3A_184 = arith.addf %add3A_182, %mul3A_183 : vector<16xf32>
        %le3A_185 = arith.constant 4.000000e-02 : f32
        %le3A_186 = vector.broadcast %le3A_185 : f32 to vector<16xf32>
        %le3A_187 = arith.cmpf ole, %add3A_184, %le3A_186 : vector<16xf32>
        %lt3A_188 = arith.constant 64 : i32
        %lt3A_189 = vector.broadcast %lt3A_188 : i32 to vector<16xi32>
        %lt3A_190 = arith.cmpi slt, %add3A_168, %lt3A_189 : vector<16xi32>
        %and3A_191 = arith.andi %le3A_187, %lt3A_190 : vector<16xi1>
        %add3A_192 = arith.addi %mul3A_81, %add3A_168 : vector<16xi32>
        %mul3A_193 = arith.constant 3 : i32
        %mul3A_194 = vector.broadcast %mul3A_193 : i32 to vector<16xi32>
        %mul3A_195 = arith.muli %add3A_192, %mul3A_194 : vector<16xi32>
        tpu.vector_store_idx %arg16[%mul3A_195], %sub3A_177 masked %and3A_191 : memref<49152xf32, #tpu.memory_space<vmem>>[vector<16xi32>], vector<16xf32>, vector<16xi1>
        %add3A_196 = arith.constant 1 : i32
        %add3A_197 = vector.broadcast %add3A_196 : i32 to vector<16xi32>
        %add3A_198 = arith.addi %mul3A_195, %add3A_197 : vector<16xi32>
        tpu.vector_store_idx %arg16[%add3A_198], %sub3A_178 masked %and3A_191 : memref<49152xf32, #tpu.memory_space<vmem>>[vector<16xi32>], vector<16xf32>, vector<16xi1>
        %add3A_199 = arith.constant 2 : i32
        %add3A_200 = vector.broadcast %add3A_199 : i32 to vector<16xi32>
        %add3A_201 = arith.addi %mul3A_195, %add3A_200 : vector<16xi32>
        tpu.vector_store_idx %arg16[%add3A_201], %sub3A_179 masked %and3A_191 : memref<49152xf32, #tpu.memory_space<vmem>>[vector<16xi32>], vector<16xf32>, vector<16xi1>
        tpu.vector_store_idx %arg17[%add3A_192], %broadcast_in_dim3A_33 masked %and3A_191 : memref<16384xf32, #tpu.memory_space<vmem>>[vector<16xi32>], vector<16xf32>, vector<16xi1>
        %jit3A_202 = arith.constant 1 : i32
        %jit3A_203 = arith.constant 0 : i32
        %broadcast_in_dim3A_204 = vector.broadcast %jit3A_202 : i32 to vector<16xi32>
        %broadcast_in_dim3A_205 = vector.broadcast %jit3A_203 : i32 to vector<16xi32>
        %select_n3A_206 = arith.select %and3A_191, %broadcast_in_dim3A_204, %broadcast_in_dim3A_205 : vector<16xi1>, vector<16xi32>
        %add3A_207 = arith.addi %add3A_168, %select_n3A_206 : vector<16xi32>
        %mul3A_208 = arith.constant 4 : i32
        %mul3A_209 = arith.muli %scan3A_91, %mul3A_208 : i32
        %add3A_210 = arith.constant 3 : i32
        %add3A_211 = arith.addi %mul3A_209, %add3A_210 : i32
        %broadcast_in_dim3A_212 = vector.broadcast %add3A_211 : i32 to vector<16xi32>
        %gather3A_213 = tpu.vector_load_idx %arg10[%broadcast_in_dim3A_212] : memref<1024xf32, #tpu.memory_space<vmem>>[vector<16xi32>], vector<16xf32>,
        %gather3A_214 = tpu.vector_load_idx %arg11[%broadcast_in_dim3A_212] : memref<1024xf32, #tpu.memory_space<vmem>>[vector<16xi32>], vector<16xf32>,
        %gather3A_215 = tpu.vector_load_idx %arg12[%broadcast_in_dim3A_212] : memref<1024xf32, #tpu.memory_space<vmem>>[vector<16xi32>], vector<16xf32>,
        %sub3A_216 = arith.subf %gather3A_213, %get3A_66 : vector<16xf32>
        %sub3A_217 = arith.subf %gather3A_214, %get3A_70 : vector<16xf32>
        %sub3A_218 = arith.subf %gather3A_215, %get3A_74 : vector<16xf32>
        %mul3A_219 = arith.mulf %sub3A_216, %sub3A_216 : vector<16xf32>
        %mul3A_220 = arith.mulf %sub3A_217, %sub3A_217 : vector<16xf32>
        %add3A_221 = arith.addf %mul3A_219, %mul3A_220 : vector<16xf32>
        %mul3A_222 = arith.mulf %sub3A_218, %sub3A_218 : vector<16xf32>
        %add3A_223 = arith.addf %add3A_221, %mul3A_222 : vector<16xf32>
        %le3A_224 = arith.constant 4.000000e-02 : f32
        %le3A_225 = vector.broadcast %le3A_224 : f32 to vector<16xf32>
        %le3A_226 = arith.cmpf ole, %add3A_223, %le3A_225 : vector<16xf32>
        %lt3A_227 = arith.constant 64 : i32
        %lt3A_228 = vector.broadcast %lt3A_227 : i32 to vector<16xi32>
        %lt3A_229 = arith.cmpi slt, %add3A_207, %lt3A_228 : vector<16xi32>
        %and3A_230 = arith.andi %le3A_226, %lt3A_229 : vector<16xi1>
        %add3A_231 = arith.addi %mul3A_81, %add3A_207 : vector<16xi32>
        %mul3A_232 = arith.constant 3 : i32
        %mul3A_233 = vector.broadcast %mul3A_232 : i32 to vector<16xi32>
        %mul3A_234 = arith.muli %add3A_231, %mul3A_233 : vector<16xi32>
        tpu.vector_store_idx %arg16[%mul3A_234], %sub3A_216 masked %and3A_230 : memref<49152xf32, #tpu.memory_space<vmem>>[vector<16xi32>], vector<16xf32>, vector<16xi1>
        %add3A_235 = arith.constant 1 : i32
        %add3A_236 = vector.broadcast %add3A_235 : i32 to vector<16xi32>
        %add3A_237 = arith.addi %mul3A_234, %add3A_236 : vector<16xi32>
        tpu.vector_store_idx %arg16[%add3A_237], %sub3A_217 masked %and3A_230 : memref<49152xf32, #tpu.memory_space<vmem>>[vector<16xi32>], vector<16xf32>, vector<16xi1>
        %add3A_238 = arith.constant 2 : i32
        %add3A_239 = vector.broadcast %add3A_238 : i32 to vector<16xi32>
        %add3A_240 = arith.addi %mul3A_234, %add3A_239 : vector<16xi32>
        tpu.vector_store_idx %arg16[%add3A_240], %sub3A_218 masked %and3A_230 : memref<49152xf32, #tpu.memory_space<vmem>>[vector<16xi32>], vector<16xf32>, vector<16xi1>
        tpu.vector_store_idx %arg17[%add3A_231], %broadcast_in_dim3A_33 masked %and3A_230 : memref<16384xf32, #tpu.memory_space<vmem>>[vector<16xi32>], vector<16xf32>, vector<16xi1>
        %jit3A_241 = arith.constant 1 : i32
        %jit3A_242 = arith.constant 0 : i32
        %broadcast_in_dim3A_243 = vector.broadcast %jit3A_241 : i32 to vector<16xi32>
        %broadcast_in_dim3A_244 = vector.broadcast %jit3A_242 : i32 to vector<16xi32>
        %select_n3A_245 = arith.select %and3A_230, %broadcast_in_dim3A_243, %broadcast_in_dim3A_244 : vector<16xi1>, vector<16xi32>
        %add3A_246 = arith.addi %add3A_207, %select_n3A_245 : vector<16xi32>
        scf.yield %add3A_246 : vector<16xi32>
      }
      %scan3A_89 = arith.constant 256 : i32
      %scan3A_90 = arith.constant 0 : i32
      scf.yield %scan3A_90 : i32
    }
    %scan3A_57 = arith.constant 16 : i32
    %mul3A_58 = arith.constant 16384 : i32
    %mul3A_59 = arith.muli %select_n3A_30, %mul3A_58 : i32
    %mul3A_60 = arith.constant 3 : i32
    %mul3A_61 = arith.muli %mul3A_59, %mul3A_60 : i32
    "tpu.region"() ({
      %run_scoped3A = tpu.sem_alloc : memref<!tpu.dma_semaphore, #tpu.memory_space<semaphore_mem>>
      %dma_start3A = tpu.memref_slice %arg8[%select_n3A, %mul3A_61] : memref<16x98304xf32, #tpu.memory_space<hbm>> -> memref<1x49152xf32, #tpu.memory_space<hbm>>
      %dma_start3A_62 = tpu.memref_squeeze %dma_start3A : memref<1x49152xf32, #tpu.memory_space<hbm>> -> memref<49152xf32, #tpu.memory_space<hbm>>
      %dma_start3A_63 = tpu.memref_slice %arg8[%select_n3A, %mul3A_61] : memref<16x98304xf32, #tpu.memory_space<hbm>> -> memref<1x49152xf32, #tpu.memory_space<hbm>>
      %dma_start3A_64 = tpu.memref_squeeze %dma_start3A_63 : memref<1x49152xf32, #tpu.memory_space<hbm>> -> memref<49152xf32, #tpu.memory_space<hbm>>
      tpu.enqueue_dma source(%arg16 : memref<49152xf32, #tpu.memory_space<vmem>>) target(%dma_start3A_64 : memref<49152xf32, #tpu.memory_space<hbm>>) target_semaphore(%run_scoped3A : memref<!tpu.dma_semaphore, #tpu.memory_space<semaphore_mem>>)
      %dma_wait3A = tpu.memref_slice %arg8[%select_n3A, %mul3A_61] : memref<16x98304xf32, #tpu.memory_space<hbm>> -> memref<1x49152xf32, #tpu.memory_space<hbm>>
      %dma_wait3A_65 = tpu.memref_squeeze %dma_wait3A : memref<1x49152xf32, #tpu.memory_space<hbm>> -> memref<49152xf32, #tpu.memory_space<hbm>>
      %dma_wait3A_66 = tpu.memref_slice %arg8[%select_n3A, %mul3A_61] : memref<16x98304xf32, #tpu.memory_space<hbm>> -> memref<1x49152xf32, #tpu.memory_space<hbm>>
      %dma_wait3A_67 = tpu.memref_squeeze %dma_wait3A_66 : memref<1x49152xf32, #tpu.memory_space<hbm>> -> memref<49152xf32, #tpu.memory_space<hbm>>
      tpu.wait_dma2 semaphore(%run_scoped3A : memref<!tpu.dma_semaphore, #tpu.memory_space<semaphore_mem>>) src(%arg16 : memref<49152xf32, #tpu.memory_space<vmem>>) dst(%dma_wait3A_67 : memref<49152xf32, #tpu.memory_space<hbm>>)
      tpu.yield
    }) : () -> ()
    "tpu.region"() ({
      %run_scoped3A = tpu.sem_alloc : memref<!tpu.dma_semaphore, #tpu.memory_space<semaphore_mem>>
      %dma_start3A = tpu.memref_slice %arg9[%select_n3A, %mul3A_59] : memref<16x32768xf32, #tpu.memory_space<hbm>> -> memref<1x16384xf32, #tpu.memory_space<hbm>>
      %dma_start3A_62 = tpu.memref_squeeze %dma_start3A : memref<1x16384xf32, #tpu.memory_space<hbm>> -> memref<16384xf32, #tpu.memory_space<hbm>>
      %dma_start3A_63 = tpu.memref_slice %arg9[%select_n3A, %mul3A_59] : memref<16x32768xf32, #tpu.memory_space<hbm>> -> memref<1x16384xf32, #tpu.memory_space<hbm>>
      %dma_start3A_64 = tpu.memref_squeeze %dma_start3A_63 : memref<1x16384xf32, #tpu.memory_space<hbm>> -> memref<16384xf32, #tpu.memory_space<hbm>>
      tpu.enqueue_dma source(%arg17 : memref<16384xf32, #tpu.memory_space<vmem>>) target(%dma_start3A_64 : memref<16384xf32, #tpu.memory_space<hbm>>) target_semaphore(%run_scoped3A : memref<!tpu.dma_semaphore, #tpu.memory_space<semaphore_mem>>)
      %dma_wait3A = tpu.memref_slice %arg9[%select_n3A, %mul3A_59] : memref<16x32768xf32, #tpu.memory_space<hbm>> -> memref<1x16384xf32, #tpu.memory_space<hbm>>
      %dma_wait3A_65 = tpu.memref_squeeze %dma_wait3A : memref<1x16384xf32, #tpu.memory_space<hbm>> -> memref<16384xf32, #tpu.memory_space<hbm>>
      %dma_wait3A_66 = tpu.memref_slice %arg9[%select_n3A, %mul3A_59] : memref<16x32768xf32, #tpu.memory_space<hbm>> -> memref<1x16384xf32, #tpu.memory_space<hbm>>
      %dma_wait3A_67 = tpu.memref_squeeze %dma_wait3A_66 : memref<1x16384xf32, #tpu.memory_space<hbm>> -> memref<16384xf32, #tpu.memory_space<hbm>>
      tpu.wait_dma2 semaphore(%run_scoped3A : memref<!tpu.dma_semaphore, #tpu.memory_space<semaphore_mem>>) src(%arg17 : memref<16384xf32, #tpu.memory_space<vmem>>) dst(%dma_wait3A_67 : memref<16384xf32, #tpu.memory_space<hbm>>)
      tpu.yield
    }) : () -> ()
    return
  }
}

#map = affine_map<(d0, d1) -> (0, 0)>
module attributes {stable_mosaic.version = 14 : i64} {
  func.func @body(%arg0: i32, %arg1: i32, %arg2: memref<16x512xf32, #tpu.memory_space<hbm>>, %arg3: memref<16x512xf32, #tpu.memory_space<hbm>>, %arg4: memref<16x512xf32, #tpu.memory_space<hbm>>, %arg5: memref<16x128xf32, #tpu.memory_space<hbm>>, %arg6: memref<16x128xf32, #tpu.memory_space<hbm>>, %arg7: memref<16x128xf32, #tpu.memory_space<hbm>>, %arg8: memref<16x24576xf32, #tpu.memory_space<hbm>>, %arg9: memref<16x8192xf32, #tpu.memory_space<hbm>>, %arg10: memref<16x8192xi32, #tpu.memory_space<hbm>>, %arg11: memref<512xf32, #tpu.memory_space<vmem>>, %arg12: memref<512xf32, #tpu.memory_space<vmem>>, %arg13: memref<512xf32, #tpu.memory_space<vmem>>, %arg14: memref<64xf32, #tpu.memory_space<vmem>>, %arg15: memref<64xf32, #tpu.memory_space<vmem>>, %arg16: memref<64xf32, #tpu.memory_space<vmem>>, %arg17: memref<12288xf32, #tpu.memory_space<vmem>>, %arg18: memref<4096xf32, #tpu.memory_space<vmem>>, %arg19: memref<4096xi32, #tpu.memory_space<vmem>>) attributes {dimension_semantics = [#tpu.dimension_semantics<core_parallel>, #tpu.dimension_semantics<subcore_parallel>], iteration_bounds = array<i64: 2, 16>, scalar_prefetch = 0 : i64, scratch_operands = 9 : i64, tpu.core_type = #tpu.core_type<sc_vector_subcore>, window_params = [{transform_indices = #map}, {transform_indices = #map}, {transform_indices = #map}, {transform_indices = #map}, {transform_indices = #map}, {transform_indices = #map}, {transform_indices = #map}, {transform_indices = #map}, {transform_indices = #map}]} {
    %mul3A = arith.constant 2 : i32
    %mul3A_0 = arith.muli %arg1, %mul3A : i32
    %add3A = arith.addi %mul3A_0, %arg0 : i32
    %jit3A = arith.constant 2 : i32
    %div3A = arith.divsi %add3A, %jit3A : i32
    %sign3A = arith.constant 0 : i32
    %sign3A_1 = arith.cmpi sgt, %add3A, %sign3A : i32
    %sign3A_2 = arith.extui %sign3A_1 : i1 to i32
    %sign3A_3 = arith.constant 0 : i32
    %sign3A_4 = arith.cmpi slt, %add3A, %sign3A_3 : i32
    %sign3A_5 = arith.extui %sign3A_4 : i1 to i32
    %sign3A_6 = arith.subi %sign3A_2, %sign3A_5 : i32
    %sign3A_7 = arith.constant 0 : i32
    %sign3A_8 = arith.cmpi sgt, %jit3A, %sign3A_7 : i32
    %sign3A_9 = arith.extui %sign3A_8 : i1 to i32
    %sign3A_10 = arith.constant 0 : i32
    %sign3A_11 = arith.cmpi slt, %jit3A, %sign3A_10 : i32
    %sign3A_12 = arith.extui %sign3A_11 : i1 to i32
    %sign3A_13 = arith.subi %sign3A_9, %sign3A_12 : i32
    %ne3A = arith.cmpi ne, %sign3A_6, %sign3A_13 : i32
    %rem3A = arith.remsi %add3A, %jit3A : i32
    %ne3A_14 = arith.constant 0 : i32
    %ne3A_15 = arith.cmpi ne, %rem3A, %ne3A_14 : i32
    %and3A = arith.andi %ne3A, %ne3A_15 : i1
    %sub3A = arith.constant 1 : i32
    %sub3A_16 = arith.subi %div3A, %sub3A : i32
    %select_n3A = arith.select %and3A, %sub3A_16, %div3A : i32
    %jit3A_17 = arith.constant 2 : i32
    %eq3A = arith.constant 0 : i32
    %eq3A_18 = arith.cmpi eq, %jit3A_17, %eq3A : i32
    %jit3A_19 = arith.constant 1 : i32
    %select_n3A_20 = arith.select %eq3A_18, %jit3A_19, %jit3A_17 : i32
    %rem3A_21 = arith.remsi %add3A, %select_n3A_20 : i32
    %ne3A_22 = arith.constant 0 : i32
    %ne3A_23 = arith.cmpi ne, %rem3A_21, %ne3A_22 : i32
    %lt3A = arith.constant 0 : i32
    %lt3A_24 = arith.cmpi slt, %rem3A_21, %lt3A : i32
    %lt3A_25 = arith.constant 0 : i32
    %lt3A_26 = arith.cmpi slt, %select_n3A_20, %lt3A_25 : i32
    %ne3A_27 = arith.xori %lt3A_24, %lt3A_26 : i1
    %and3A_28 = arith.andi %ne3A_27, %ne3A_23 : i1
    %add3A_29 = arith.addi %rem3A_21, %select_n3A_20 : i32
    %select_n3A_30 = arith.select %and3A_28, %add3A_29, %rem3A_21 : i32
    %mul3A_31 = arith.constant 64 : i32
    %mul3A_32 = arith.muli %select_n3A_30, %mul3A_31 : i32
    "tpu.region"() ({
      %run_scoped3A = tpu.sem_alloc : memref<!tpu.dma_semaphore, #tpu.memory_space<semaphore_mem>>
      %dma_start3A = arith.constant 0 : i32
      %dma_start3A_62 = tpu.memref_slice %arg2[%select_n3A, %dma_start3A] : memref<16x512xf32, #tpu.memory_space<hbm>> -> memref<1x512xf32, #tpu.memory_space<hbm>>
      %dma_start3A_63 = tpu.memref_squeeze %dma_start3A_62 : memref<1x512xf32, #tpu.memory_space<hbm>> -> memref<512xf32, #tpu.memory_space<hbm>>
      %dma_start3A_64 = arith.constant 0 : i32
      %dma_start3A_65 = tpu.memref_slice %arg2[%select_n3A, %dma_start3A_64] : memref<16x512xf32, #tpu.memory_space<hbm>> -> memref<1x512xf32, #tpu.memory_space<hbm>>
      %dma_start3A_66 = tpu.memref_squeeze %dma_start3A_65 : memref<1x512xf32, #tpu.memory_space<hbm>> -> memref<512xf32, #tpu.memory_space<hbm>>
      tpu.enqueue_dma source(%dma_start3A_66 : memref<512xf32, #tpu.memory_space<hbm>>) target(%arg11 : memref<512xf32, #tpu.memory_space<vmem>>) target_semaphore(%run_scoped3A : memref<!tpu.dma_semaphore, #tpu.memory_space<semaphore_mem>>)
      %dma_wait3A = arith.constant 0 : i32
      %dma_wait3A_67 = tpu.memref_slice %arg2[%select_n3A, %dma_wait3A] : memref<16x512xf32, #tpu.memory_space<hbm>> -> memref<1x512xf32, #tpu.memory_space<hbm>>
      %dma_wait3A_68 = tpu.memref_squeeze %dma_wait3A_67 : memref<1x512xf32, #tpu.memory_space<hbm>> -> memref<512xf32, #tpu.memory_space<hbm>>
      %dma_wait3A_69 = arith.constant 0 : i32
      %dma_wait3A_70 = tpu.memref_slice %arg2[%select_n3A, %dma_wait3A_69] : memref<16x512xf32, #tpu.memory_space<hbm>> -> memref<1x512xf32, #tpu.memory_space<hbm>>
      %dma_wait3A_71 = tpu.memref_squeeze %dma_wait3A_70 : memref<1x512xf32, #tpu.memory_space<hbm>> -> memref<512xf32, #tpu.memory_space<hbm>>
      tpu.wait_dma2 semaphore(%run_scoped3A : memref<!tpu.dma_semaphore, #tpu.memory_space<semaphore_mem>>) src(%dma_wait3A_71 : memref<512xf32, #tpu.memory_space<hbm>>) dst(%arg11 : memref<512xf32, #tpu.memory_space<vmem>>)
      tpu.yield
    }) : () -> ()
    "tpu.region"() ({
      %run_scoped3A = tpu.sem_alloc : memref<!tpu.dma_semaphore, #tpu.memory_space<semaphore_mem>>
      %dma_start3A = arith.constant 0 : i32
      %dma_start3A_62 = tpu.memref_slice %arg3[%select_n3A, %dma_start3A] : memref<16x512xf32, #tpu.memory_space<hbm>> -> memref<1x512xf32, #tpu.memory_space<hbm>>
      %dma_start3A_63 = tpu.memref_squeeze %dma_start3A_62 : memref<1x512xf32, #tpu.memory_space<hbm>> -> memref<512xf32, #tpu.memory_space<hbm>>
      %dma_start3A_64 = arith.constant 0 : i32
      %dma_start3A_65 = tpu.memref_slice %arg3[%select_n3A, %dma_start3A_64] : memref<16x512xf32, #tpu.memory_space<hbm>> -> memref<1x512xf32, #tpu.memory_space<hbm>>
      %dma_start3A_66 = tpu.memref_squeeze %dma_start3A_65 : memref<1x512xf32, #tpu.memory_space<hbm>> -> memref<512xf32, #tpu.memory_space<hbm>>
      tpu.enqueue_dma source(%dma_start3A_66 : memref<512xf32, #tpu.memory_space<hbm>>) target(%arg12 : memref<512xf32, #tpu.memory_space<vmem>>) target_semaphore(%run_scoped3A : memref<!tpu.dma_semaphore, #tpu.memory_space<semaphore_mem>>)
      %dma_wait3A = arith.constant 0 : i32
      %dma_wait3A_67 = tpu.memref_slice %arg3[%select_n3A, %dma_wait3A] : memref<16x512xf32, #tpu.memory_space<hbm>> -> memref<1x512xf32, #tpu.memory_space<hbm>>
      %dma_wait3A_68 = tpu.memref_squeeze %dma_wait3A_67 : memref<1x512xf32, #tpu.memory_space<hbm>> -> memref<512xf32, #tpu.memory_space<hbm>>
      %dma_wait3A_69 = arith.constant 0 : i32
      %dma_wait3A_70 = tpu.memref_slice %arg3[%select_n3A, %dma_wait3A_69] : memref<16x512xf32, #tpu.memory_space<hbm>> -> memref<1x512xf32, #tpu.memory_space<hbm>>
      %dma_wait3A_71 = tpu.memref_squeeze %dma_wait3A_70 : memref<1x512xf32, #tpu.memory_space<hbm>> -> memref<512xf32, #tpu.memory_space<hbm>>
      tpu.wait_dma2 semaphore(%run_scoped3A : memref<!tpu.dma_semaphore, #tpu.memory_space<semaphore_mem>>) src(%dma_wait3A_71 : memref<512xf32, #tpu.memory_space<hbm>>) dst(%arg12 : memref<512xf32, #tpu.memory_space<vmem>>)
      tpu.yield
    }) : () -> ()
    "tpu.region"() ({
      %run_scoped3A = tpu.sem_alloc : memref<!tpu.dma_semaphore, #tpu.memory_space<semaphore_mem>>
      %dma_start3A = arith.constant 0 : i32
      %dma_start3A_62 = tpu.memref_slice %arg4[%select_n3A, %dma_start3A] : memref<16x512xf32, #tpu.memory_space<hbm>> -> memref<1x512xf32, #tpu.memory_space<hbm>>
      %dma_start3A_63 = tpu.memref_squeeze %dma_start3A_62 : memref<1x512xf32, #tpu.memory_space<hbm>> -> memref<512xf32, #tpu.memory_space<hbm>>
      %dma_start3A_64 = arith.constant 0 : i32
      %dma_start3A_65 = tpu.memref_slice %arg4[%select_n3A, %dma_start3A_64] : memref<16x512xf32, #tpu.memory_space<hbm>> -> memref<1x512xf32, #tpu.memory_space<hbm>>
      %dma_start3A_66 = tpu.memref_squeeze %dma_start3A_65 : memref<1x512xf32, #tpu.memory_space<hbm>> -> memref<512xf32, #tpu.memory_space<hbm>>
      tpu.enqueue_dma source(%dma_start3A_66 : memref<512xf32, #tpu.memory_space<hbm>>) target(%arg13 : memref<512xf32, #tpu.memory_space<vmem>>) target_semaphore(%run_scoped3A : memref<!tpu.dma_semaphore, #tpu.memory_space<semaphore_mem>>)
      %dma_wait3A = arith.constant 0 : i32
      %dma_wait3A_67 = tpu.memref_slice %arg4[%select_n3A, %dma_wait3A] : memref<16x512xf32, #tpu.memory_space<hbm>> -> memref<1x512xf32, #tpu.memory_space<hbm>>
      %dma_wait3A_68 = tpu.memref_squeeze %dma_wait3A_67 : memref<1x512xf32, #tpu.memory_space<hbm>> -> memref<512xf32, #tpu.memory_space<hbm>>
      %dma_wait3A_69 = arith.constant 0 : i32
      %dma_wait3A_70 = tpu.memref_slice %arg4[%select_n3A, %dma_wait3A_69] : memref<16x512xf32, #tpu.memory_space<hbm>> -> memref<1x512xf32, #tpu.memory_space<hbm>>
      %dma_wait3A_71 = tpu.memref_squeeze %dma_wait3A_70 : memref<1x512xf32, #tpu.memory_space<hbm>> -> memref<512xf32, #tpu.memory_space<hbm>>
      tpu.wait_dma2 semaphore(%run_scoped3A : memref<!tpu.dma_semaphore, #tpu.memory_space<semaphore_mem>>) src(%dma_wait3A_71 : memref<512xf32, #tpu.memory_space<hbm>>) dst(%arg13 : memref<512xf32, #tpu.memory_space<vmem>>)
      tpu.yield
    }) : () -> ()
    "tpu.region"() ({
      %run_scoped3A = tpu.sem_alloc : memref<!tpu.dma_semaphore, #tpu.memory_space<semaphore_mem>>
      %dma_start3A = tpu.memref_slice %arg5[%select_n3A, %mul3A_32] : memref<16x128xf32, #tpu.memory_space<hbm>> -> memref<1x64xf32, #tpu.memory_space<hbm>>
      %dma_start3A_62 = tpu.memref_squeeze %dma_start3A : memref<1x64xf32, #tpu.memory_space<hbm>> -> memref<64xf32, #tpu.memory_space<hbm>>
      %dma_start3A_63 = tpu.memref_slice %arg5[%select_n3A, %mul3A_32] : memref<16x128xf32, #tpu.memory_space<hbm>> -> memref<1x64xf32, #tpu.memory_space<hbm>>
      %dma_start3A_64 = tpu.memref_squeeze %dma_start3A_63 : memref<1x64xf32, #tpu.memory_space<hbm>> -> memref<64xf32, #tpu.memory_space<hbm>>
      tpu.enqueue_dma source(%dma_start3A_64 : memref<64xf32, #tpu.memory_space<hbm>>) target(%arg14 : memref<64xf32, #tpu.memory_space<vmem>>) target_semaphore(%run_scoped3A : memref<!tpu.dma_semaphore, #tpu.memory_space<semaphore_mem>>)
      %dma_wait3A = tpu.memref_slice %arg5[%select_n3A, %mul3A_32] : memref<16x128xf32, #tpu.memory_space<hbm>> -> memref<1x64xf32, #tpu.memory_space<hbm>>
      %dma_wait3A_65 = tpu.memref_squeeze %dma_wait3A : memref<1x64xf32, #tpu.memory_space<hbm>> -> memref<64xf32, #tpu.memory_space<hbm>>
      %dma_wait3A_66 = tpu.memref_slice %arg5[%select_n3A, %mul3A_32] : memref<16x128xf32, #tpu.memory_space<hbm>> -> memref<1x64xf32, #tpu.memory_space<hbm>>
      %dma_wait3A_67 = tpu.memref_squeeze %dma_wait3A_66 : memref<1x64xf32, #tpu.memory_space<hbm>> -> memref<64xf32, #tpu.memory_space<hbm>>
      tpu.wait_dma2 semaphore(%run_scoped3A : memref<!tpu.dma_semaphore, #tpu.memory_space<semaphore_mem>>) src(%dma_wait3A_67 : memref<64xf32, #tpu.memory_space<hbm>>) dst(%arg14 : memref<64xf32, #tpu.memory_space<vmem>>)
      tpu.yield
    }) : () -> ()
    "tpu.region"() ({
      %run_scoped3A = tpu.sem_alloc : memref<!tpu.dma_semaphore, #tpu.memory_space<semaphore_mem>>
      %dma_start3A = tpu.memref_slice %arg6[%select_n3A, %mul3A_32] : memref<16x128xf32, #tpu.memory_space<hbm>> -> memref<1x64xf32, #tpu.memory_space<hbm>>
      %dma_start3A_62 = tpu.memref_squeeze %dma_start3A : memref<1x64xf32, #tpu.memory_space<hbm>> -> memref<64xf32, #tpu.memory_space<hbm>>
      %dma_start3A_63 = tpu.memref_slice %arg6[%select_n3A, %mul3A_32] : memref<16x128xf32, #tpu.memory_space<hbm>> -> memref<1x64xf32, #tpu.memory_space<hbm>>
      %dma_start3A_64 = tpu.memref_squeeze %dma_start3A_63 : memref<1x64xf32, #tpu.memory_space<hbm>> -> memref<64xf32, #tpu.memory_space<hbm>>
      tpu.enqueue_dma source(%dma_start3A_64 : memref<64xf32, #tpu.memory_space<hbm>>) target(%arg15 : memref<64xf32, #tpu.memory_space<vmem>>) target_semaphore(%run_scoped3A : memref<!tpu.dma_semaphore, #tpu.memory_space<semaphore_mem>>)
      %dma_wait3A = tpu.memref_slice %arg6[%select_n3A, %mul3A_32] : memref<16x128xf32, #tpu.memory_space<hbm>> -> memref<1x64xf32, #tpu.memory_space<hbm>>
      %dma_wait3A_65 = tpu.memref_squeeze %dma_wait3A : memref<1x64xf32, #tpu.memory_space<hbm>> -> memref<64xf32, #tpu.memory_space<hbm>>
      %dma_wait3A_66 = tpu.memref_slice %arg6[%select_n3A, %mul3A_32] : memref<16x128xf32, #tpu.memory_space<hbm>> -> memref<1x64xf32, #tpu.memory_space<hbm>>
      %dma_wait3A_67 = tpu.memref_squeeze %dma_wait3A_66 : memref<1x64xf32, #tpu.memory_space<hbm>> -> memref<64xf32, #tpu.memory_space<hbm>>
      tpu.wait_dma2 semaphore(%run_scoped3A : memref<!tpu.dma_semaphore, #tpu.memory_space<semaphore_mem>>) src(%dma_wait3A_67 : memref<64xf32, #tpu.memory_space<hbm>>) dst(%arg15 : memref<64xf32, #tpu.memory_space<vmem>>)
      tpu.yield
    }) : () -> ()
    "tpu.region"() ({
      %run_scoped3A = tpu.sem_alloc : memref<!tpu.dma_semaphore, #tpu.memory_space<semaphore_mem>>
      %dma_start3A = tpu.memref_slice %arg7[%select_n3A, %mul3A_32] : memref<16x128xf32, #tpu.memory_space<hbm>> -> memref<1x64xf32, #tpu.memory_space<hbm>>
      %dma_start3A_62 = tpu.memref_squeeze %dma_start3A : memref<1x64xf32, #tpu.memory_space<hbm>> -> memref<64xf32, #tpu.memory_space<hbm>>
      %dma_start3A_63 = tpu.memref_slice %arg7[%select_n3A, %mul3A_32] : memref<16x128xf32, #tpu.memory_space<hbm>> -> memref<1x64xf32, #tpu.memory_space<hbm>>
      %dma_start3A_64 = tpu.memref_squeeze %dma_start3A_63 : memref<1x64xf32, #tpu.memory_space<hbm>> -> memref<64xf32, #tpu.memory_space<hbm>>
      tpu.enqueue_dma source(%dma_start3A_64 : memref<64xf32, #tpu.memory_space<hbm>>) target(%arg16 : memref<64xf32, #tpu.memory_space<vmem>>) target_semaphore(%run_scoped3A : memref<!tpu.dma_semaphore, #tpu.memory_space<semaphore_mem>>)
      %dma_wait3A = tpu.memref_slice %arg7[%select_n3A, %mul3A_32] : memref<16x128xf32, #tpu.memory_space<hbm>> -> memref<1x64xf32, #tpu.memory_space<hbm>>
      %dma_wait3A_65 = tpu.memref_squeeze %dma_wait3A : memref<1x64xf32, #tpu.memory_space<hbm>> -> memref<64xf32, #tpu.memory_space<hbm>>
      %dma_wait3A_66 = tpu.memref_slice %arg7[%select_n3A, %mul3A_32] : memref<16x128xf32, #tpu.memory_space<hbm>> -> memref<1x64xf32, #tpu.memory_space<hbm>>
      %dma_wait3A_67 = tpu.memref_squeeze %dma_wait3A_66 : memref<1x64xf32, #tpu.memory_space<hbm>> -> memref<64xf32, #tpu.memory_space<hbm>>
      tpu.wait_dma2 semaphore(%run_scoped3A : memref<!tpu.dma_semaphore, #tpu.memory_space<semaphore_mem>>) src(%dma_wait3A_67 : memref<64xf32, #tpu.memory_space<hbm>>) dst(%arg16 : memref<64xf32, #tpu.memory_space<vmem>>)
      tpu.yield
    }) : () -> ()
    %broadcast_in_dim3A = arith.constant 0.000000e+00 : f32
    %broadcast_in_dim3A_33 = vector.broadcast %broadcast_in_dim3A : f32 to vector<16xf32>
    %broadcast_in_dim3A_34 = arith.constant -1.000000e+30 : f32
    %broadcast_in_dim3A_35 = vector.broadcast %broadcast_in_dim3A_34 : f32 to vector<16xf32>
    %broadcast_in_dim3A_36 = arith.constant 0 : i32
    %broadcast_in_dim3A_37 = vector.broadcast %broadcast_in_dim3A_36 : i32 to vector<16xi32>
    %scan3A = arith.constant 0 : i32
    %scan3A_38 = arith.constant 0 : i32
    %scan3A_39 = arith.constant 256 : i32
    %scan3A_40 = arith.addi %scan3A_38, %scan3A_39 : i32
    %scan3A_41 = arith.constant 1 : i32
    %scan3A_42 = scf.for %scan3A_62 = %scan3A_38 to %scan3A_40 step %scan3A_41 iter_args(%scan3A_63 = %scan3A) -> (i32)  : i32 {
      %mul3A_64 = arith.constant 16 : i32
      %mul3A_65 = arith.muli %scan3A_62, %mul3A_64 : i32
      %swap3A = arith.index_cast %mul3A_65 : i32 to index
      %swap3A_66 = tpu.vector_load %arg18[%swap3A] {strides = array<i32>} : memref<4096xf32, #tpu.memory_space<vmem>>, vector<16xf32>,
      tpu.vector_store %arg18[%swap3A], %broadcast_in_dim3A_35 {strides = array<i32>} : memref<4096xf32, #tpu.memory_space<vmem>>, vector<16xf32>,
      %mul3A_67 = arith.constant 16 : i32
      %mul3A_68 = arith.muli %scan3A_62, %mul3A_67 : i32
      %swap3A_69 = arith.index_cast %mul3A_68 : i32 to index
      %swap3A_70 = tpu.vector_load %arg19[%swap3A_69] {strides = array<i32>} : memref<4096xi32, #tpu.memory_space<vmem>>, vector<16xi32>,
      tpu.vector_store %arg19[%swap3A_69], %broadcast_in_dim3A_37 {strides = array<i32>} : memref<4096xi32, #tpu.memory_space<vmem>>, vector<16xi32>,
      %scan3A_71 = arith.constant 0 : i32
      scf.yield %scan3A_71 : i32
    }
    %scan3A_43 = arith.constant 256 : i32
    %scan3A_44 = arith.constant 0 : i32
    %scan3A_45 = arith.constant 0 : i32
    %scan3A_46 = arith.constant 768 : i32
    %scan3A_47 = arith.addi %scan3A_45, %scan3A_46 : i32
    %scan3A_48 = arith.constant 1 : i32
    %scan3A_49 = scf.for %scan3A_62 = %scan3A_45 to %scan3A_47 step %scan3A_48 iter_args(%scan3A_63 = %scan3A_44) -> (i32)  : i32 {
      %mul3A_64 = arith.constant 16 : i32
      %mul3A_65 = arith.muli %scan3A_62, %mul3A_64 : i32
      %swap3A = arith.index_cast %mul3A_65 : i32 to index
      %swap3A_66 = tpu.vector_load %arg17[%swap3A] {strides = array<i32>} : memref<12288xf32, #tpu.memory_space<vmem>>, vector<16xf32>,
      tpu.vector_store %arg17[%swap3A], %broadcast_in_dim3A_33 {strides = array<i32>} : memref<12288xf32, #tpu.memory_space<vmem>>, vector<16xf32>,
      %scan3A_67 = arith.constant 0 : i32
      scf.yield %scan3A_67 : i32
    }
    %scan3A_50 = arith.constant 768 : i32
    %iota3A = tpu.iota {dimensions = array<i32: 0>} : vector<16xi32>
    %scan3A_51 = arith.constant 0 : i32
    %scan3A_52 = arith.constant 0 : i32
    %scan3A_53 = arith.constant 4 : i32
    %scan3A_54 = arith.addi %scan3A_52, %scan3A_53 : i32
    %scan3A_55 = arith.constant 1 : i32
    %scan3A_56 = scf.for %scan3A_62 = %scan3A_52 to %scan3A_54 step %scan3A_55 iter_args(%scan3A_63 = %scan3A_51) -> (i32)  : i32 {
      %mul3A_64 = arith.constant 16 : i32
      %mul3A_65 = arith.muli %scan3A_62, %mul3A_64 : i32
      %get3A = arith.index_cast %mul3A_65 : i32 to index
      %get3A_66 = tpu.vector_load %arg14[%get3A] {strides = array<i32>} : memref<64xf32, #tpu.memory_space<vmem>>, vector<16xf32>,
      %mul3A_67 = arith.constant 16 : i32
      %mul3A_68 = arith.muli %scan3A_62, %mul3A_67 : i32
      %get3A_69 = arith.index_cast %mul3A_68 : i32 to index
      %get3A_70 = tpu.vector_load %arg15[%get3A_69] {strides = array<i32>} : memref<64xf32, #tpu.memory_space<vmem>>, vector<16xf32>,
      %mul3A_71 = arith.constant 16 : i32
      %mul3A_72 = arith.muli %scan3A_62, %mul3A_71 : i32
      %get3A_73 = arith.index_cast %mul3A_72 : i32 to index
      %get3A_74 = tpu.vector_load %arg16[%get3A_73] {strides = array<i32>} : memref<64xf32, #tpu.memory_space<vmem>>, vector<16xf32>,
      %mul3A_75 = arith.constant 16 : i32
      %mul3A_76 = arith.muli %scan3A_62, %mul3A_75 : i32
      %add3A_77 = vector.broadcast %mul3A_76 : i32 to vector<16xi32>
      %add3A_78 = arith.addi %add3A_77, %iota3A : vector<16xi32>
      %mul3A_79 = arith.constant 64 : i32
      %mul3A_80 = vector.broadcast %mul3A_79 : i32 to vector<16xi32>
      %mul3A_81 = arith.muli %add3A_78, %mul3A_80 : vector<16xi32>
      %broadcast_in_dim3A_82 = arith.constant 0 : i32
      %broadcast_in_dim3A_83 = vector.broadcast %broadcast_in_dim3A_82 : i32 to vector<16xi32>
      %scan3A_84 = arith.constant 0 : i32
      %scan3A_85 = arith.constant 128 : i32
      %scan3A_86 = arith.addi %scan3A_84, %scan3A_85 : i32
      %scan3A_87 = arith.constant 1 : i32
      %scan3A_88 = scf.for %scan3A_91 = %scan3A_84 to %scan3A_86 step %scan3A_87 iter_args(%scan3A_92 = %broadcast_in_dim3A_83) -> (vector<16xi32>)  : i32 {
        %mul3A_93 = arith.constant 4 : i32
        %mul3A_94 = arith.muli %scan3A_91, %mul3A_93 : i32
        %add3A_95 = arith.constant 0 : i32
        %add3A_96 = arith.addi %mul3A_94, %add3A_95 : i32
        %broadcast_in_dim3A_97 = vector.broadcast %add3A_96 : i32 to vector<16xi32>
        %gather3A = tpu.vector_load_idx %arg11[%broadcast_in_dim3A_97] : memref<512xf32, #tpu.memory_space<vmem>>[vector<16xi32>], vector<16xf32>,
        %gather3A_98 = tpu.vector_load_idx %arg12[%broadcast_in_dim3A_97] : memref<512xf32, #tpu.memory_space<vmem>>[vector<16xi32>], vector<16xf32>,
        %gather3A_99 = tpu.vector_load_idx %arg13[%broadcast_in_dim3A_97] : memref<512xf32, #tpu.memory_space<vmem>>[vector<16xi32>], vector<16xf32>,
        %sub3A_100 = arith.subf %gather3A, %get3A_66 : vector<16xf32>
        %sub3A_101 = arith.subf %gather3A_98, %get3A_70 : vector<16xf32>
        %sub3A_102 = arith.subf %gather3A_99, %get3A_74 : vector<16xf32>
        %mul3A_103 = arith.mulf %sub3A_100, %sub3A_100 : vector<16xf32>
        %mul3A_104 = arith.mulf %sub3A_101, %sub3A_101 : vector<16xf32>
        %add3A_105 = arith.addf %mul3A_103, %mul3A_104 : vector<16xf32>
        %mul3A_106 = arith.mulf %sub3A_102, %sub3A_102 : vector<16xf32>
        %add3A_107 = arith.addf %add3A_105, %mul3A_106 : vector<16xf32>
        %le3A = arith.constant 1.600000e-01 : f32
        %le3A_108 = vector.broadcast %le3A : f32 to vector<16xf32>
        %le3A_109 = arith.cmpf ole, %add3A_107, %le3A_108 : vector<16xf32>
        %lt3A_110 = arith.constant 64 : i32
        %lt3A_111 = vector.broadcast %lt3A_110 : i32 to vector<16xi32>
        %lt3A_112 = arith.cmpi slt, %scan3A_92, %lt3A_111 : vector<16xi32>
        %and3A_113 = arith.andi %le3A_109, %lt3A_112 : vector<16xi1>
        %add3A_114 = arith.addi %mul3A_81, %scan3A_92 : vector<16xi32>
        %mul3A_115 = arith.constant 3 : i32
        %mul3A_116 = vector.broadcast %mul3A_115 : i32 to vector<16xi32>
        %mul3A_117 = arith.muli %add3A_114, %mul3A_116 : vector<16xi32>
        tpu.vector_store_idx %arg17[%mul3A_117], %sub3A_100 masked %and3A_113 : memref<12288xf32, #tpu.memory_space<vmem>>[vector<16xi32>], vector<16xf32>, vector<16xi1>
        %add3A_118 = arith.constant 1 : i32
        %add3A_119 = vector.broadcast %add3A_118 : i32 to vector<16xi32>
        %add3A_120 = arith.addi %mul3A_117, %add3A_119 : vector<16xi32>
        tpu.vector_store_idx %arg17[%add3A_120], %sub3A_101 masked %and3A_113 : memref<12288xf32, #tpu.memory_space<vmem>>[vector<16xi32>], vector<16xf32>, vector<16xi1>
        %add3A_121 = arith.constant 2 : i32
        %add3A_122 = vector.broadcast %add3A_121 : i32 to vector<16xi32>
        %add3A_123 = arith.addi %mul3A_117, %add3A_122 : vector<16xi32>
        tpu.vector_store_idx %arg17[%add3A_123], %sub3A_102 masked %and3A_113 : memref<12288xf32, #tpu.memory_space<vmem>>[vector<16xi32>], vector<16xf32>, vector<16xi1>
        tpu.vector_store_idx %arg18[%add3A_114], %broadcast_in_dim3A_33 masked %and3A_113 : memref<4096xf32, #tpu.memory_space<vmem>>[vector<16xi32>], vector<16xf32>, vector<16xi1>
        tpu.vector_store_idx %arg19[%add3A_114], %broadcast_in_dim3A_97 masked %and3A_113 : memref<4096xi32, #tpu.memory_space<vmem>>[vector<16xi32>], vector<16xi32>, vector<16xi1>
        %jit3A_124 = arith.constant 1 : i32
        %jit3A_125 = arith.constant 0 : i32
        %broadcast_in_dim3A_126 = vector.broadcast %jit3A_124 : i32 to vector<16xi32>
        %broadcast_in_dim3A_127 = vector.broadcast %jit3A_125 : i32 to vector<16xi32>
        %select_n3A_128 = arith.select %and3A_113, %broadcast_in_dim3A_126, %broadcast_in_dim3A_127 : vector<16xi1>, vector<16xi32>
        %add3A_129 = arith.addi %scan3A_92, %select_n3A_128 : vector<16xi32>
        %mul3A_130 = arith.constant 4 : i32
        %mul3A_131 = arith.muli %scan3A_91, %mul3A_130 : i32
        %add3A_132 = arith.constant 1 : i32
        %add3A_133 = arith.addi %mul3A_131, %add3A_132 : i32
        %broadcast_in_dim3A_134 = vector.broadcast %add3A_133 : i32 to vector<16xi32>
        %gather3A_135 = tpu.vector_load_idx %arg11[%broadcast_in_dim3A_134] : memref<512xf32, #tpu.memory_space<vmem>>[vector<16xi32>], vector<16xf32>,
        %gather3A_136 = tpu.vector_load_idx %arg12[%broadcast_in_dim3A_134] : memref<512xf32, #tpu.memory_space<vmem>>[vector<16xi32>], vector<16xf32>,
        %gather3A_137 = tpu.vector_load_idx %arg13[%broadcast_in_dim3A_134] : memref<512xf32, #tpu.memory_space<vmem>>[vector<16xi32>], vector<16xf32>,
        %sub3A_138 = arith.subf %gather3A_135, %get3A_66 : vector<16xf32>
        %sub3A_139 = arith.subf %gather3A_136, %get3A_70 : vector<16xf32>
        %sub3A_140 = arith.subf %gather3A_137, %get3A_74 : vector<16xf32>
        %mul3A_141 = arith.mulf %sub3A_138, %sub3A_138 : vector<16xf32>
        %mul3A_142 = arith.mulf %sub3A_139, %sub3A_139 : vector<16xf32>
        %add3A_143 = arith.addf %mul3A_141, %mul3A_142 : vector<16xf32>
        %mul3A_144 = arith.mulf %sub3A_140, %sub3A_140 : vector<16xf32>
        %add3A_145 = arith.addf %add3A_143, %mul3A_144 : vector<16xf32>
        %le3A_146 = arith.constant 1.600000e-01 : f32
        %le3A_147 = vector.broadcast %le3A_146 : f32 to vector<16xf32>
        %le3A_148 = arith.cmpf ole, %add3A_145, %le3A_147 : vector<16xf32>
        %lt3A_149 = arith.constant 64 : i32
        %lt3A_150 = vector.broadcast %lt3A_149 : i32 to vector<16xi32>
        %lt3A_151 = arith.cmpi slt, %add3A_129, %lt3A_150 : vector<16xi32>
        %and3A_152 = arith.andi %le3A_148, %lt3A_151 : vector<16xi1>
        %add3A_153 = arith.addi %mul3A_81, %add3A_129 : vector<16xi32>
        %mul3A_154 = arith.constant 3 : i32
        %mul3A_155 = vector.broadcast %mul3A_154 : i32 to vector<16xi32>
        %mul3A_156 = arith.muli %add3A_153, %mul3A_155 : vector<16xi32>
        tpu.vector_store_idx %arg17[%mul3A_156], %sub3A_138 masked %and3A_152 : memref<12288xf32, #tpu.memory_space<vmem>>[vector<16xi32>], vector<16xf32>, vector<16xi1>
        %add3A_157 = arith.constant 1 : i32
        %add3A_158 = vector.broadcast %add3A_157 : i32 to vector<16xi32>
        %add3A_159 = arith.addi %mul3A_156, %add3A_158 : vector<16xi32>
        tpu.vector_store_idx %arg17[%add3A_159], %sub3A_139 masked %and3A_152 : memref<12288xf32, #tpu.memory_space<vmem>>[vector<16xi32>], vector<16xf32>, vector<16xi1>
        %add3A_160 = arith.constant 2 : i32
        %add3A_161 = vector.broadcast %add3A_160 : i32 to vector<16xi32>
        %add3A_162 = arith.addi %mul3A_156, %add3A_161 : vector<16xi32>
        tpu.vector_store_idx %arg17[%add3A_162], %sub3A_140 masked %and3A_152 : memref<12288xf32, #tpu.memory_space<vmem>>[vector<16xi32>], vector<16xf32>, vector<16xi1>
        tpu.vector_store_idx %arg18[%add3A_153], %broadcast_in_dim3A_33 masked %and3A_152 : memref<4096xf32, #tpu.memory_space<vmem>>[vector<16xi32>], vector<16xf32>, vector<16xi1>
        tpu.vector_store_idx %arg19[%add3A_153], %broadcast_in_dim3A_134 masked %and3A_152 : memref<4096xi32, #tpu.memory_space<vmem>>[vector<16xi32>], vector<16xi32>, vector<16xi1>
        %jit3A_163 = arith.constant 1 : i32
        %jit3A_164 = arith.constant 0 : i32
        %broadcast_in_dim3A_165 = vector.broadcast %jit3A_163 : i32 to vector<16xi32>
        %broadcast_in_dim3A_166 = vector.broadcast %jit3A_164 : i32 to vector<16xi32>
        %select_n3A_167 = arith.select %and3A_152, %broadcast_in_dim3A_165, %broadcast_in_dim3A_166 : vector<16xi1>, vector<16xi32>
        %add3A_168 = arith.addi %add3A_129, %select_n3A_167 : vector<16xi32>
        %mul3A_169 = arith.constant 4 : i32
        %mul3A_170 = arith.muli %scan3A_91, %mul3A_169 : i32
        %add3A_171 = arith.constant 2 : i32
        %add3A_172 = arith.addi %mul3A_170, %add3A_171 : i32
        %broadcast_in_dim3A_173 = vector.broadcast %add3A_172 : i32 to vector<16xi32>
        %gather3A_174 = tpu.vector_load_idx %arg11[%broadcast_in_dim3A_173] : memref<512xf32, #tpu.memory_space<vmem>>[vector<16xi32>], vector<16xf32>,
        %gather3A_175 = tpu.vector_load_idx %arg12[%broadcast_in_dim3A_173] : memref<512xf32, #tpu.memory_space<vmem>>[vector<16xi32>], vector<16xf32>,
        %gather3A_176 = tpu.vector_load_idx %arg13[%broadcast_in_dim3A_173] : memref<512xf32, #tpu.memory_space<vmem>>[vector<16xi32>], vector<16xf32>,
        %sub3A_177 = arith.subf %gather3A_174, %get3A_66 : vector<16xf32>
        %sub3A_178 = arith.subf %gather3A_175, %get3A_70 : vector<16xf32>
        %sub3A_179 = arith.subf %gather3A_176, %get3A_74 : vector<16xf32>
        %mul3A_180 = arith.mulf %sub3A_177, %sub3A_177 : vector<16xf32>
        %mul3A_181 = arith.mulf %sub3A_178, %sub3A_178 : vector<16xf32>
        %add3A_182 = arith.addf %mul3A_180, %mul3A_181 : vector<16xf32>
        %mul3A_183 = arith.mulf %sub3A_179, %sub3A_179 : vector<16xf32>
        %add3A_184 = arith.addf %add3A_182, %mul3A_183 : vector<16xf32>
        %le3A_185 = arith.constant 1.600000e-01 : f32
        %le3A_186 = vector.broadcast %le3A_185 : f32 to vector<16xf32>
        %le3A_187 = arith.cmpf ole, %add3A_184, %le3A_186 : vector<16xf32>
        %lt3A_188 = arith.constant 64 : i32
        %lt3A_189 = vector.broadcast %lt3A_188 : i32 to vector<16xi32>
        %lt3A_190 = arith.cmpi slt, %add3A_168, %lt3A_189 : vector<16xi32>
        %and3A_191 = arith.andi %le3A_187, %lt3A_190 : vector<16xi1>
        %add3A_192 = arith.addi %mul3A_81, %add3A_168 : vector<16xi32>
        %mul3A_193 = arith.constant 3 : i32
        %mul3A_194 = vector.broadcast %mul3A_193 : i32 to vector<16xi32>
        %mul3A_195 = arith.muli %add3A_192, %mul3A_194 : vector<16xi32>
        tpu.vector_store_idx %arg17[%mul3A_195], %sub3A_177 masked %and3A_191 : memref<12288xf32, #tpu.memory_space<vmem>>[vector<16xi32>], vector<16xf32>, vector<16xi1>
        %add3A_196 = arith.constant 1 : i32
        %add3A_197 = vector.broadcast %add3A_196 : i32 to vector<16xi32>
        %add3A_198 = arith.addi %mul3A_195, %add3A_197 : vector<16xi32>
        tpu.vector_store_idx %arg17[%add3A_198], %sub3A_178 masked %and3A_191 : memref<12288xf32, #tpu.memory_space<vmem>>[vector<16xi32>], vector<16xf32>, vector<16xi1>
        %add3A_199 = arith.constant 2 : i32
        %add3A_200 = vector.broadcast %add3A_199 : i32 to vector<16xi32>
        %add3A_201 = arith.addi %mul3A_195, %add3A_200 : vector<16xi32>
        tpu.vector_store_idx %arg17[%add3A_201], %sub3A_179 masked %and3A_191 : memref<12288xf32, #tpu.memory_space<vmem>>[vector<16xi32>], vector<16xf32>, vector<16xi1>
        tpu.vector_store_idx %arg18[%add3A_192], %broadcast_in_dim3A_33 masked %and3A_191 : memref<4096xf32, #tpu.memory_space<vmem>>[vector<16xi32>], vector<16xf32>, vector<16xi1>
        tpu.vector_store_idx %arg19[%add3A_192], %broadcast_in_dim3A_173 masked %and3A_191 : memref<4096xi32, #tpu.memory_space<vmem>>[vector<16xi32>], vector<16xi32>, vector<16xi1>
        %jit3A_202 = arith.constant 1 : i32
        %jit3A_203 = arith.constant 0 : i32
        %broadcast_in_dim3A_204 = vector.broadcast %jit3A_202 : i32 to vector<16xi32>
        %broadcast_in_dim3A_205 = vector.broadcast %jit3A_203 : i32 to vector<16xi32>
        %select_n3A_206 = arith.select %and3A_191, %broadcast_in_dim3A_204, %broadcast_in_dim3A_205 : vector<16xi1>, vector<16xi32>
        %add3A_207 = arith.addi %add3A_168, %select_n3A_206 : vector<16xi32>
        %mul3A_208 = arith.constant 4 : i32
        %mul3A_209 = arith.muli %scan3A_91, %mul3A_208 : i32
        %add3A_210 = arith.constant 3 : i32
        %add3A_211 = arith.addi %mul3A_209, %add3A_210 : i32
        %broadcast_in_dim3A_212 = vector.broadcast %add3A_211 : i32 to vector<16xi32>
        %gather3A_213 = tpu.vector_load_idx %arg11[%broadcast_in_dim3A_212] : memref<512xf32, #tpu.memory_space<vmem>>[vector<16xi32>], vector<16xf32>,
        %gather3A_214 = tpu.vector_load_idx %arg12[%broadcast_in_dim3A_212] : memref<512xf32, #tpu.memory_space<vmem>>[vector<16xi32>], vector<16xf32>,
        %gather3A_215 = tpu.vector_load_idx %arg13[%broadcast_in_dim3A_212] : memref<512xf32, #tpu.memory_space<vmem>>[vector<16xi32>], vector<16xf32>,
        %sub3A_216 = arith.subf %gather3A_213, %get3A_66 : vector<16xf32>
        %sub3A_217 = arith.subf %gather3A_214, %get3A_70 : vector<16xf32>
        %sub3A_218 = arith.subf %gather3A_215, %get3A_74 : vector<16xf32>
        %mul3A_219 = arith.mulf %sub3A_216, %sub3A_216 : vector<16xf32>
        %mul3A_220 = arith.mulf %sub3A_217, %sub3A_217 : vector<16xf32>
        %add3A_221 = arith.addf %mul3A_219, %mul3A_220 : vector<16xf32>
        %mul3A_222 = arith.mulf %sub3A_218, %sub3A_218 : vector<16xf32>
        %add3A_223 = arith.addf %add3A_221, %mul3A_222 : vector<16xf32>
        %le3A_224 = arith.constant 1.600000e-01 : f32
        %le3A_225 = vector.broadcast %le3A_224 : f32 to vector<16xf32>
        %le3A_226 = arith.cmpf ole, %add3A_223, %le3A_225 : vector<16xf32>
        %lt3A_227 = arith.constant 64 : i32
        %lt3A_228 = vector.broadcast %lt3A_227 : i32 to vector<16xi32>
        %lt3A_229 = arith.cmpi slt, %add3A_207, %lt3A_228 : vector<16xi32>
        %and3A_230 = arith.andi %le3A_226, %lt3A_229 : vector<16xi1>
        %add3A_231 = arith.addi %mul3A_81, %add3A_207 : vector<16xi32>
        %mul3A_232 = arith.constant 3 : i32
        %mul3A_233 = vector.broadcast %mul3A_232 : i32 to vector<16xi32>
        %mul3A_234 = arith.muli %add3A_231, %mul3A_233 : vector<16xi32>
        tpu.vector_store_idx %arg17[%mul3A_234], %sub3A_216 masked %and3A_230 : memref<12288xf32, #tpu.memory_space<vmem>>[vector<16xi32>], vector<16xf32>, vector<16xi1>
        %add3A_235 = arith.constant 1 : i32
        %add3A_236 = vector.broadcast %add3A_235 : i32 to vector<16xi32>
        %add3A_237 = arith.addi %mul3A_234, %add3A_236 : vector<16xi32>
        tpu.vector_store_idx %arg17[%add3A_237], %sub3A_217 masked %and3A_230 : memref<12288xf32, #tpu.memory_space<vmem>>[vector<16xi32>], vector<16xf32>, vector<16xi1>
        %add3A_238 = arith.constant 2 : i32
        %add3A_239 = vector.broadcast %add3A_238 : i32 to vector<16xi32>
        %add3A_240 = arith.addi %mul3A_234, %add3A_239 : vector<16xi32>
        tpu.vector_store_idx %arg17[%add3A_240], %sub3A_218 masked %and3A_230 : memref<12288xf32, #tpu.memory_space<vmem>>[vector<16xi32>], vector<16xf32>, vector<16xi1>
        tpu.vector_store_idx %arg18[%add3A_231], %broadcast_in_dim3A_33 masked %and3A_230 : memref<4096xf32, #tpu.memory_space<vmem>>[vector<16xi32>], vector<16xf32>, vector<16xi1>
        tpu.vector_store_idx %arg19[%add3A_231], %broadcast_in_dim3A_212 masked %and3A_230 : memref<4096xi32, #tpu.memory_space<vmem>>[vector<16xi32>], vector<16xi32>, vector<16xi1>
        %jit3A_241 = arith.constant 1 : i32
        %jit3A_242 = arith.constant 0 : i32
        %broadcast_in_dim3A_243 = vector.broadcast %jit3A_241 : i32 to vector<16xi32>
        %broadcast_in_dim3A_244 = vector.broadcast %jit3A_242 : i32 to vector<16xi32>
        %select_n3A_245 = arith.select %and3A_230, %broadcast_in_dim3A_243, %broadcast_in_dim3A_244 : vector<16xi1>, vector<16xi32>
        %add3A_246 = arith.addi %add3A_207, %select_n3A_245 : vector<16xi32>
        scf.yield %add3A_246 : vector<16xi32>
      }
      %scan3A_89 = arith.constant 128 : i32
      %scan3A_90 = arith.constant 0 : i32
      scf.yield %scan3A_90 : i32
    }
    %scan3A_57 = arith.constant 4 : i32
    %mul3A_58 = arith.constant 4096 : i32
    %mul3A_59 = arith.muli %select_n3A_30, %mul3A_58 : i32
    %mul3A_60 = arith.constant 3 : i32
    %mul3A_61 = arith.muli %mul3A_59, %mul3A_60 : i32
    "tpu.region"() ({
      %run_scoped3A = tpu.sem_alloc : memref<!tpu.dma_semaphore, #tpu.memory_space<semaphore_mem>>
      %dma_start3A = tpu.memref_slice %arg8[%select_n3A, %mul3A_61] : memref<16x24576xf32, #tpu.memory_space<hbm>> -> memref<1x12288xf32, #tpu.memory_space<hbm>>
      %dma_start3A_62 = tpu.memref_squeeze %dma_start3A : memref<1x12288xf32, #tpu.memory_space<hbm>> -> memref<12288xf32, #tpu.memory_space<hbm>>
      %dma_start3A_63 = tpu.memref_slice %arg8[%select_n3A, %mul3A_61] : memref<16x24576xf32, #tpu.memory_space<hbm>> -> memref<1x12288xf32, #tpu.memory_space<hbm>>
      %dma_start3A_64 = tpu.memref_squeeze %dma_start3A_63 : memref<1x12288xf32, #tpu.memory_space<hbm>> -> memref<12288xf32, #tpu.memory_space<hbm>>
      tpu.enqueue_dma source(%arg17 : memref<12288xf32, #tpu.memory_space<vmem>>) target(%dma_start3A_64 : memref<12288xf32, #tpu.memory_space<hbm>>) target_semaphore(%run_scoped3A : memref<!tpu.dma_semaphore, #tpu.memory_space<semaphore_mem>>)
      %dma_wait3A = tpu.memref_slice %arg8[%select_n3A, %mul3A_61] : memref<16x24576xf32, #tpu.memory_space<hbm>> -> memref<1x12288xf32, #tpu.memory_space<hbm>>
      %dma_wait3A_65 = tpu.memref_squeeze %dma_wait3A : memref<1x12288xf32, #tpu.memory_space<hbm>> -> memref<12288xf32, #tpu.memory_space<hbm>>
      %dma_wait3A_66 = tpu.memref_slice %arg8[%select_n3A, %mul3A_61] : memref<16x24576xf32, #tpu.memory_space<hbm>> -> memref<1x12288xf32, #tpu.memory_space<hbm>>
      %dma_wait3A_67 = tpu.memref_squeeze %dma_wait3A_66 : memref<1x12288xf32, #tpu.memory_space<hbm>> -> memref<12288xf32, #tpu.memory_space<hbm>>
      tpu.wait_dma2 semaphore(%run_scoped3A : memref<!tpu.dma_semaphore, #tpu.memory_space<semaphore_mem>>) src(%arg17 : memref<12288xf32, #tpu.memory_space<vmem>>) dst(%dma_wait3A_67 : memref<12288xf32, #tpu.memory_space<hbm>>)
      tpu.yield
    }) : () -> ()
    "tpu.region"() ({
      %run_scoped3A = tpu.sem_alloc : memref<!tpu.dma_semaphore, #tpu.memory_space<semaphore_mem>>
      %dma_start3A = tpu.memref_slice %arg9[%select_n3A, %mul3A_59] : memref<16x8192xf32, #tpu.memory_space<hbm>> -> memref<1x4096xf32, #tpu.memory_space<hbm>>
      %dma_start3A_62 = tpu.memref_squeeze %dma_start3A : memref<1x4096xf32, #tpu.memory_space<hbm>> -> memref<4096xf32, #tpu.memory_space<hbm>>
      %dma_start3A_63 = tpu.memref_slice %arg9[%select_n3A, %mul3A_59] : memref<16x8192xf32, #tpu.memory_space<hbm>> -> memref<1x4096xf32, #tpu.memory_space<hbm>>
      %dma_start3A_64 = tpu.memref_squeeze %dma_start3A_63 : memref<1x4096xf32, #tpu.memory_space<hbm>> -> memref<4096xf32, #tpu.memory_space<hbm>>
      tpu.enqueue_dma source(%arg18 : memref<4096xf32, #tpu.memory_space<vmem>>) target(%dma_start3A_64 : memref<4096xf32, #tpu.memory_space<hbm>>) target_semaphore(%run_scoped3A : memref<!tpu.dma_semaphore, #tpu.memory_space<semaphore_mem>>)
      %dma_wait3A = tpu.memref_slice %arg9[%select_n3A, %mul3A_59] : memref<16x8192xf32, #tpu.memory_space<hbm>> -> memref<1x4096xf32, #tpu.memory_space<hbm>>
      %dma_wait3A_65 = tpu.memref_squeeze %dma_wait3A : memref<1x4096xf32, #tpu.memory_space<hbm>> -> memref<4096xf32, #tpu.memory_space<hbm>>
      %dma_wait3A_66 = tpu.memref_slice %arg9[%select_n3A, %mul3A_59] : memref<16x8192xf32, #tpu.memory_space<hbm>> -> memref<1x4096xf32, #tpu.memory_space<hbm>>
      %dma_wait3A_67 = tpu.memref_squeeze %dma_wait3A_66 : memref<1x4096xf32, #tpu.memory_space<hbm>> -> memref<4096xf32, #tpu.memory_space<hbm>>
      tpu.wait_dma2 semaphore(%run_scoped3A : memref<!tpu.dma_semaphore, #tpu.memory_space<semaphore_mem>>) src(%arg18 : memref<4096xf32, #tpu.memory_space<vmem>>) dst(%dma_wait3A_67 : memref<4096xf32, #tpu.memory_space<hbm>>)
      tpu.yield
    }) : () -> ()
    "tpu.region"() ({
      %run_scoped3A = tpu.sem_alloc : memref<!tpu.dma_semaphore, #tpu.memory_space<semaphore_mem>>
      %dma_start3A = tpu.memref_slice %arg10[%select_n3A, %mul3A_59] : memref<16x8192xi32, #tpu.memory_space<hbm>> -> memref<1x4096xi32, #tpu.memory_space<hbm>>
      %dma_start3A_62 = tpu.memref_squeeze %dma_start3A : memref<1x4096xi32, #tpu.memory_space<hbm>> -> memref<4096xi32, #tpu.memory_space<hbm>>
      %dma_start3A_63 = tpu.memref_slice %arg10[%select_n3A, %mul3A_59] : memref<16x8192xi32, #tpu.memory_space<hbm>> -> memref<1x4096xi32, #tpu.memory_space<hbm>>
      %dma_start3A_64 = tpu.memref_squeeze %dma_start3A_63 : memref<1x4096xi32, #tpu.memory_space<hbm>> -> memref<4096xi32, #tpu.memory_space<hbm>>
      tpu.enqueue_dma source(%arg19 : memref<4096xi32, #tpu.memory_space<vmem>>) target(%dma_start3A_64 : memref<4096xi32, #tpu.memory_space<hbm>>) target_semaphore(%run_scoped3A : memref<!tpu.dma_semaphore, #tpu.memory_space<semaphore_mem>>)
      %dma_wait3A = tpu.memref_slice %arg10[%select_n3A, %mul3A_59] : memref<16x8192xi32, #tpu.memory_space<hbm>> -> memref<1x4096xi32, #tpu.memory_space<hbm>>
      %dma_wait3A_65 = tpu.memref_squeeze %dma_wait3A : memref<1x4096xi32, #tpu.memory_space<hbm>> -> memref<4096xi32, #tpu.memory_space<hbm>>
      %dma_wait3A_66 = tpu.memref_slice %arg10[%select_n3A, %mul3A_59] : memref<16x8192xi32, #tpu.memory_space<hbm>> -> memref<1x4096xi32, #tpu.memory_space<hbm>>
      %dma_wait3A_67 = tpu.memref_squeeze %dma_wait3A_66 : memref<1x4096xi32, #tpu.memory_space<hbm>> -> memref<4096xi32, #tpu.memory_space<hbm>>
      tpu.wait_dma2 semaphore(%run_scoped3A : memref<!tpu.dma_semaphore, #tpu.memory_space<semaphore_mem>>) src(%arg19 : memref<4096xi32, #tpu.memory_space<vmem>>) dst(%dma_wait3A_67 : memref<4096xi32, #tpu.memory_space<hbm>>)
      tpu.yield
    }) : () -> ()
    return
  }
}

module attributes {stable_mosaic.version = 14 : i64} {
  func.func @body(%arg0: memref<16x3x1024xf32, #tpu.memory_space<vmem>>, %arg1: memref<512x16x3xf32, #tpu.memory_space<vmem>>) attributes {dimension_semantics = [], scalar_prefetch = 0 : i64, scratch_operands = 0 : i64, tpu.core_type = #tpu.core_type<tc>} {
    %get3A = arith.constant 0 : index
    %get3A_0 = arith.constant 0 : index
    %get3A_1 = arith.constant 0 : index
    %get3A_2 = vector.load %arg0[%get3A, %get3A_0, %get3A_1] : memref<16x3x1024xf32, #tpu.memory_space<vmem>>, vector<16x1x1024xf32>
    %get3A_3 = vector.shape_cast %get3A_2 : vector<16x1x1024xf32> to vector<16x1024xf32>
    %get3A_4 = arith.constant 0 : index
    %get3A_5 = arith.constant 1 : index
    %get3A_6 = arith.constant 0 : index
    %get3A_7 = vector.load %arg0[%get3A_4, %get3A_5, %get3A_6] : memref<16x3x1024xf32, #tpu.memory_space<vmem>>, vector<16x1x1024xf32>
    %get3A_8 = vector.shape_cast %get3A_7 : vector<16x1x1024xf32> to vector<16x1024xf32>
    %get3A_9 = arith.constant 0 : index
    %get3A_10 = arith.constant 2 : index
    %get3A_11 = arith.constant 0 : index
    %get3A_12 = vector.load %arg0[%get3A_9, %get3A_10, %get3A_11] : memref<16x3x1024xf32, #tpu.memory_space<vmem>>, vector<16x1x1024xf32>
    %get3A_13 = vector.shape_cast %get3A_12 : vector<16x1x1024xf32> to vector<16x1024xf32>
    %iota3A = tpu.iota {dimensions = array<i32: 1>} : vector<16x1024xi32>
    %broadcast_in_dim3A = arith.constant 1.000000e+30 : f32
    %broadcast_in_dim3A_14 = vector.broadcast %broadcast_in_dim3A : f32 to vector<16x1024xf32>
    %broadcast_in_dim3A_15 = arith.constant 0 : i32
    %broadcast_in_dim3A_16 = vector.broadcast %broadcast_in_dim3A_15 : i32 to vector<16x1xi32>
    %scan3A = arith.constant 0 : i32
    %scan3A_17 = arith.constant 512 : i32
    %scan3A_18 = arith.addi %scan3A, %scan3A_17 : i32
    %scan3A_19 = arith.constant 1 : i32
    %scan3A_20:2 = scf.for %scan3A_22 = %scan3A to %scan3A_18 step %scan3A_19 iter_args(%scan3A_23 = %broadcast_in_dim3A_14, %scan3A_24 = %broadcast_in_dim3A_16) -> (vector<16x1024xf32>, vector<16x1xi32>)  : i32 {
      %eq3A = vector.broadcast %scan3A_24 : vector<16x1xi32> to vector<16x1024xi32>
      %eq3A_25 = arith.cmpi eq, %iota3A, %eq3A : vector<16x1024xi32>
      %jit3A = arith.constant 0.000000e+00 : f32
      %broadcast_in_dim3A_26 = vector.broadcast %jit3A : f32 to vector<16x1024xf32>
      %select_n3A = arith.select %eq3A_25, %get3A_3, %broadcast_in_dim3A_26 : vector<16x1024xi1>, vector<16x1024xf32>
      %reduce_sum3A = arith.constant dense<0.000000e+00> : vector<16xf32>
      %reduce_sum3A_27 = vector.multi_reduction <add>, %select_n3A, %reduce_sum3A [1] : vector<16x1024xf32> to vector<16xf32>
      %broadcast_in_dim3A_28 = vector.shape_cast %reduce_sum3A_27 : vector<16xf32> to vector<16x1xf32>
      %jit3A_29 = arith.constant 0.000000e+00 : f32
      %broadcast_in_dim3A_30 = vector.broadcast %jit3A_29 : f32 to vector<16x1024xf32>
      %select_n3A_31 = arith.select %eq3A_25, %get3A_8, %broadcast_in_dim3A_30 : vector<16x1024xi1>, vector<16x1024xf32>
      %reduce_sum3A_32 = arith.constant dense<0.000000e+00> : vector<16xf32>
      %reduce_sum3A_33 = vector.multi_reduction <add>, %select_n3A_31, %reduce_sum3A_32 [1] : vector<16x1024xf32> to vector<16xf32>
      %broadcast_in_dim3A_34 = vector.shape_cast %reduce_sum3A_33 : vector<16xf32> to vector<16x1xf32>
      %jit3A_35 = arith.constant 0.000000e+00 : f32
      %broadcast_in_dim3A_36 = vector.broadcast %jit3A_35 : f32 to vector<16x1024xf32>
      %select_n3A_37 = arith.select %eq3A_25, %get3A_13, %broadcast_in_dim3A_36 : vector<16x1024xi1>, vector<16x1024xf32>
      %reduce_sum3A_38 = arith.constant dense<0.000000e+00> : vector<16xf32>
      %reduce_sum3A_39 = vector.multi_reduction <add>, %select_n3A_37, %reduce_sum3A_38 [1] : vector<16x1024xf32> to vector<16xf32>
      %broadcast_in_dim3A_40 = vector.shape_cast %reduce_sum3A_39 : vector<16xf32> to vector<16x1xf32>
      %concatenate3A = tpu.concatenate %broadcast_in_dim3A_28, %broadcast_in_dim3A_34, %broadcast_in_dim3A_40 in 1 : vector<16x1xf32>, vector<16x1xf32>, vector<16x1xf32> -> vector<16x3xf32>
      %swap3A = arith.index_cast %scan3A_22 : i32 to index
      %swap3A_41 = arith.constant 0 : index
      %swap3A_42 = arith.constant 0 : index
      %swap3A_43 = vector.load %arg1[%swap3A, %swap3A_41, %swap3A_42] : memref<512x16x3xf32, #tpu.memory_space<vmem>>, vector<1x16x3xf32>
      %swap3A_44 = vector.shape_cast %swap3A_43 : vector<1x16x3xf32> to vector<16x3xf32>
      %swap3A_45 = vector.shape_cast %concatenate3A : vector<16x3xf32> to vector<1x16x3xf32>
      tpu.vector_store %arg1[%swap3A, %swap3A_41, %swap3A_42], %swap3A_45 {strides = array<i32>} : memref<512x16x3xf32, #tpu.memory_space<vmem>>, vector<1x16x3xf32>,
      %sub3A = vector.broadcast %broadcast_in_dim3A_28 : vector<16x1xf32> to vector<16x1024xf32>
      %sub3A_46 = arith.subf %get3A_3, %sub3A : vector<16x1024xf32>
      %sub3A_47 = vector.broadcast %broadcast_in_dim3A_34 : vector<16x1xf32> to vector<16x1024xf32>
      %sub3A_48 = arith.subf %get3A_8, %sub3A_47 : vector<16x1024xf32>
      %sub3A_49 = vector.broadcast %broadcast_in_dim3A_40 : vector<16x1xf32> to vector<16x1024xf32>
      %sub3A_50 = arith.subf %get3A_13, %sub3A_49 : vector<16x1024xf32>
      %mul3A = arith.mulf %sub3A_46, %sub3A_46 : vector<16x1024xf32>
      %mul3A_51 = arith.mulf %sub3A_48, %sub3A_48 : vector<16x1024xf32>
      %add3A = arith.addf %mul3A, %mul3A_51 : vector<16x1024xf32>
      %mul3A_52 = arith.mulf %sub3A_50, %sub3A_50 : vector<16x1024xf32>
      %add3A_53 = arith.addf %add3A, %mul3A_52 : vector<16x1024xf32>
      %min3A = arith.minimumf %scan3A_23, %add3A_53 : vector<16x1024xf32>
      %reduce_max3A = arith.constant dense<0xFF800000> : vector<16xf32>
      %reduce_max3A_54 = vector.multi_reduction <maximumf>, %min3A, %reduce_max3A [1] : vector<16x1024xf32> to vector<16xf32>
      %broadcast_in_dim3A_55 = vector.shape_cast %reduce_max3A_54 : vector<16xf32> to vector<16x1xf32>
      %eq3A_56 = vector.broadcast %broadcast_in_dim3A_55 : vector<16x1xf32> to vector<16x1024xf32>
      %eq3A_57 = arith.cmpf oeq, %min3A, %eq3A_56 : vector<16x1024xf32>
      %jit3A_58 = arith.constant 1024 : i32
      %broadcast_in_dim3A_59 = vector.broadcast %jit3A_58 : i32 to vector<16x1024xi32>
      %select_n3A_60 = arith.select %eq3A_57, %iota3A, %broadcast_in_dim3A_59 : vector<16x1024xi1>, vector<16x1024xi32>
      %reduce_min3A = arith.constant dense<2147483647> : vector<16xi32>
      %reduce_min3A_61 = vector.multi_reduction <minsi>, %select_n3A_60, %reduce_min3A [1] : vector<16x1024xi32> to vector<16xi32>
      %broadcast_in_dim3A_62 = vector.shape_cast %reduce_min3A_61 : vector<16xi32> to vector<16x1xi32>
      scf.yield %min3A, %broadcast_in_dim3A_62 : vector<16x1024xf32>, vector<16x1xi32>
    }
    %scan3A_21 = arith.constant 512 : i32
    return
  }
}

module attributes {stable_mosaic.version = 14 : i64} {
  func.func @body(%arg0: memref<16x3x512xf32, #tpu.memory_space<vmem>>, %arg1: memref<128x16x3xf32, #tpu.memory_space<vmem>>) attributes {dimension_semantics = [], scalar_prefetch = 0 : i64, scratch_operands = 0 : i64, tpu.core_type = #tpu.core_type<tc>} {
    %get3A = arith.constant 0 : index
    %get3A_0 = arith.constant 0 : index
    %get3A_1 = arith.constant 0 : index
    %get3A_2 = vector.load %arg0[%get3A, %get3A_0, %get3A_1] : memref<16x3x512xf32, #tpu.memory_space<vmem>>, vector<16x1x512xf32>
    %get3A_3 = vector.shape_cast %get3A_2 : vector<16x1x512xf32> to vector<16x512xf32>
    %get3A_4 = arith.constant 0 : index
    %get3A_5 = arith.constant 1 : index
    %get3A_6 = arith.constant 0 : index
    %get3A_7 = vector.load %arg0[%get3A_4, %get3A_5, %get3A_6] : memref<16x3x512xf32, #tpu.memory_space<vmem>>, vector<16x1x512xf32>
    %get3A_8 = vector.shape_cast %get3A_7 : vector<16x1x512xf32> to vector<16x512xf32>
    %get3A_9 = arith.constant 0 : index
    %get3A_10 = arith.constant 2 : index
    %get3A_11 = arith.constant 0 : index
    %get3A_12 = vector.load %arg0[%get3A_9, %get3A_10, %get3A_11] : memref<16x3x512xf32, #tpu.memory_space<vmem>>, vector<16x1x512xf32>
    %get3A_13 = vector.shape_cast %get3A_12 : vector<16x1x512xf32> to vector<16x512xf32>
    %iota3A = tpu.iota {dimensions = array<i32: 1>} : vector<16x512xi32>
    %broadcast_in_dim3A = arith.constant 1.000000e+30 : f32
    %broadcast_in_dim3A_14 = vector.broadcast %broadcast_in_dim3A : f32 to vector<16x512xf32>
    %broadcast_in_dim3A_15 = arith.constant 0 : i32
    %broadcast_in_dim3A_16 = vector.broadcast %broadcast_in_dim3A_15 : i32 to vector<16x1xi32>
    %scan3A = arith.constant 0 : i32
    %scan3A_17 = arith.constant 128 : i32
    %scan3A_18 = arith.addi %scan3A, %scan3A_17 : i32
    %scan3A_19 = arith.constant 1 : i32
    %scan3A_20:2 = scf.for %scan3A_22 = %scan3A to %scan3A_18 step %scan3A_19 iter_args(%scan3A_23 = %broadcast_in_dim3A_14, %scan3A_24 = %broadcast_in_dim3A_16) -> (vector<16x512xf32>, vector<16x1xi32>)  : i32 {
      %eq3A = vector.broadcast %scan3A_24 : vector<16x1xi32> to vector<16x512xi32>
      %eq3A_25 = arith.cmpi eq, %iota3A, %eq3A : vector<16x512xi32>
      %jit3A = arith.constant 0.000000e+00 : f32
      %broadcast_in_dim3A_26 = vector.broadcast %jit3A : f32 to vector<16x512xf32>
      %select_n3A = arith.select %eq3A_25, %get3A_3, %broadcast_in_dim3A_26 : vector<16x512xi1>, vector<16x512xf32>
      %reduce_sum3A = arith.constant dense<0.000000e+00> : vector<16xf32>
      %reduce_sum3A_27 = vector.multi_reduction <add>, %select_n3A, %reduce_sum3A [1] : vector<16x512xf32> to vector<16xf32>
      %broadcast_in_dim3A_28 = vector.shape_cast %reduce_sum3A_27 : vector<16xf32> to vector<16x1xf32>
      %jit3A_29 = arith.constant 0.000000e+00 : f32
      %broadcast_in_dim3A_30 = vector.broadcast %jit3A_29 : f32 to vector<16x512xf32>
      %select_n3A_31 = arith.select %eq3A_25, %get3A_8, %broadcast_in_dim3A_30 : vector<16x512xi1>, vector<16x512xf32>
      %reduce_sum3A_32 = arith.constant dense<0.000000e+00> : vector<16xf32>
      %reduce_sum3A_33 = vector.multi_reduction <add>, %select_n3A_31, %reduce_sum3A_32 [1] : vector<16x512xf32> to vector<16xf32>
      %broadcast_in_dim3A_34 = vector.shape_cast %reduce_sum3A_33 : vector<16xf32> to vector<16x1xf32>
      %jit3A_35 = arith.constant 0.000000e+00 : f32
      %broadcast_in_dim3A_36 = vector.broadcast %jit3A_35 : f32 to vector<16x512xf32>
      %select_n3A_37 = arith.select %eq3A_25, %get3A_13, %broadcast_in_dim3A_36 : vector<16x512xi1>, vector<16x512xf32>
      %reduce_sum3A_38 = arith.constant dense<0.000000e+00> : vector<16xf32>
      %reduce_sum3A_39 = vector.multi_reduction <add>, %select_n3A_37, %reduce_sum3A_38 [1] : vector<16x512xf32> to vector<16xf32>
      %broadcast_in_dim3A_40 = vector.shape_cast %reduce_sum3A_39 : vector<16xf32> to vector<16x1xf32>
      %concatenate3A = tpu.concatenate %broadcast_in_dim3A_28, %broadcast_in_dim3A_34, %broadcast_in_dim3A_40 in 1 : vector<16x1xf32>, vector<16x1xf32>, vector<16x1xf32> -> vector<16x3xf32>
      %swap3A = arith.index_cast %scan3A_22 : i32 to index
      %swap3A_41 = arith.constant 0 : index
      %swap3A_42 = arith.constant 0 : index
      %swap3A_43 = vector.load %arg1[%swap3A, %swap3A_41, %swap3A_42] : memref<128x16x3xf32, #tpu.memory_space<vmem>>, vector<1x16x3xf32>
      %swap3A_44 = vector.shape_cast %swap3A_43 : vector<1x16x3xf32> to vector<16x3xf32>
      %swap3A_45 = vector.shape_cast %concatenate3A : vector<16x3xf32> to vector<1x16x3xf32>
      tpu.vector_store %arg1[%swap3A, %swap3A_41, %swap3A_42], %swap3A_45 {strides = array<i32>} : memref<128x16x3xf32, #tpu.memory_space<vmem>>, vector<1x16x3xf32>,
      %sub3A = vector.broadcast %broadcast_in_dim3A_28 : vector<16x1xf32> to vector<16x512xf32>
      %sub3A_46 = arith.subf %get3A_3, %sub3A : vector<16x512xf32>
      %sub3A_47 = vector.broadcast %broadcast_in_dim3A_34 : vector<16x1xf32> to vector<16x512xf32>
      %sub3A_48 = arith.subf %get3A_8, %sub3A_47 : vector<16x512xf32>
      %sub3A_49 = vector.broadcast %broadcast_in_dim3A_40 : vector<16x1xf32> to vector<16x512xf32>
      %sub3A_50 = arith.subf %get3A_13, %sub3A_49 : vector<16x512xf32>
      %mul3A = arith.mulf %sub3A_46, %sub3A_46 : vector<16x512xf32>
      %mul3A_51 = arith.mulf %sub3A_48, %sub3A_48 : vector<16x512xf32>
      %add3A = arith.addf %mul3A, %mul3A_51 : vector<16x512xf32>
      %mul3A_52 = arith.mulf %sub3A_50, %sub3A_50 : vector<16x512xf32>
      %add3A_53 = arith.addf %add3A, %mul3A_52 : vector<16x512xf32>
      %min3A = arith.minimumf %scan3A_23, %add3A_53 : vector<16x512xf32>
      %reduce_max3A = arith.constant dense<0xFF800000> : vector<16xf32>
      %reduce_max3A_54 = vector.multi_reduction <maximumf>, %min3A, %reduce_max3A [1] : vector<16x512xf32> to vector<16xf32>
      %broadcast_in_dim3A_55 = vector.shape_cast %reduce_max3A_54 : vector<16xf32> to vector<16x1xf32>
      %eq3A_56 = vector.broadcast %broadcast_in_dim3A_55 : vector<16x1xf32> to vector<16x512xf32>
      %eq3A_57 = arith.cmpf oeq, %min3A, %eq3A_56 : vector<16x512xf32>
      %jit3A_58 = arith.constant 512 : i32
      %broadcast_in_dim3A_59 = vector.broadcast %jit3A_58 : i32 to vector<16x512xi32>
      %select_n3A_60 = arith.select %eq3A_57, %iota3A, %broadcast_in_dim3A_59 : vector<16x512xi1>, vector<16x512xi32>
      %reduce_min3A = arith.constant dense<2147483647> : vector<16xi32>
      %reduce_min3A_61 = vector.multi_reduction <minsi>, %select_n3A_60, %reduce_min3A [1] : vector<16x512xi32> to vector<16xi32>
      %broadcast_in_dim3A_62 = vector.shape_cast %reduce_min3A_61 : vector<16xi32> to vector<16x1xi32>
      scf.yield %min3A, %broadcast_in_dim3A_62 : vector<16x512xf32>, vector<16x1xi32>
    }
    %scan3A_21 = arith.constant 128 : i32
    return
  }
}

module attributes {stable_mosaic.version = 14 : i64} {
  func.func @body(%arg0: i32, %arg1: memref<16384x3xf32, #tpu.memory_space<vmem>>, %arg2: memref<256x64xf32, #tpu.memory_space<vmem>>, %arg3: memref<3x64xf32, #tpu.memory_space<vmem>>, %arg4: memref<1x64xf32, #tpu.memory_space<vmem>>, %arg5: memref<1x64xf32, #tpu.memory_space<vmem>>, %arg6: memref<1x64xf32, #tpu.memory_space<vmem>>, %arg7: memref<64x64xf32, #tpu.memory_space<vmem>>, %arg8: memref<1x64xf32, #tpu.memory_space<vmem>>, %arg9: memref<1x64xf32, #tpu.memory_space<vmem>>, %arg10: memref<1x64xf32, #tpu.memory_space<vmem>>, %arg11: memref<64x128xf32, #tpu.memory_space<vmem>>, %arg12: memref<1x128xf32, #tpu.memory_space<vmem>>, %arg13: memref<256x128xf32, #tpu.memory_space<vmem>>) attributes {dimension_semantics = [#tpu.dimension_semantics<arbitrary>], iteration_bounds = array<i64: 32>, scalar_prefetch = 0 : i64, scratch_operands = 0 : i64, tpu.core_type = #tpu.core_type<tc>, window_params = [{transform_indices = @transform_0, window_bounds = array<i64: 16384, 3>}, {transform_indices = @transform_1, window_bounds = array<i64: 256, 64>}, {pipeline_mode = #tpu.pipeline_mode<synchronous>, transform_indices = @transform_2, window_bounds = array<i64: 3, 64>}, {pipeline_mode = #tpu.pipeline_mode<synchronous>, transform_indices = @transform_3, window_bounds = array<i64: 1, 64>}, {pipeline_mode = #tpu.pipeline_mode<synchronous>, transform_indices = @transform_4, window_bounds = array<i64: 1, 64>}, {pipeline_mode = #tpu.pipeline_mode<synchronous>, transform_indices = @transform_5, window_bounds = array<i64: 1, 64>}, {pipeline_mode = #tpu.pipeline_mode<synchronous>, transform_indices = @transform_6, window_bounds = array<i64: 64, 64>}, {pipeline_mode = #tpu.pipeline_mode<synchronous>, transform_indices = @transform_7, window_bounds = array<i64: 1, 64>}, {pipeline_mode = #tpu.pipeline_mode<synchronous>, transform_indices = @transform_8, window_bounds = array<i64: 1, 64>}, {pipeline_mode = #tpu.pipeline_mode<synchronous>, transform_indices = @transform_9, window_bounds = array<i64: 1, 64>}, {pipeline_mode = #tpu.pipeline_mode<synchronous>, transform_indices = @transform_10, window_bounds = array<i64: 64, 128>}, {pipeline_mode = #tpu.pipeline_mode<synchronous>, transform_indices = @transform_11, window_bounds = array<i64: 1, 128>}, {transform_indices = @transform_12, window_bounds = array<i64: 256, 128>}]} {
    %get3A = arith.constant 0 : index
    %get3A_0 = arith.constant 0 : index
    %get3A_1 = vector.load %arg1[%get3A, %get3A_0] : memref<16384x3xf32, #tpu.memory_space<vmem>>, vector<16384x3xf32>
    %get3A_2 = arith.constant 0 : index
    %get3A_3 = arith.constant 0 : index
    %get3A_4 = vector.load %arg3[%get3A_2, %get3A_3] : memref<3x64xf32, #tpu.memory_space<vmem>>, vector<3x64xf32>
    %dot_general3A = arith.constant dense<0.000000e+00> : vector<16384x64xf32>
    %dot_general3A_5 = tpu.matmul %get3A_1, %get3A_4, %dot_general3A {dimension_numbers = #tpu.dot_dimension_numbers<[1], [0], [0], [1], [0, 0, 1, 1], [], []>, transpose_lhs_hint = false} : vector<16384x3xf32>, vector<3x64xf32>, vector<16384x64xf32> -> vector<16384x64xf32>
    %get3A_6 = arith.constant 0 : index
    %get3A_7 = arith.constant 0 : index
    %get3A_8 = vector.load %arg4[%get3A_6, %get3A_7] : memref<1x64xf32, #tpu.memory_space<vmem>>, vector<1x64xf32>
    %add3A = vector.broadcast %get3A_8 : vector<1x64xf32> to vector<16384x64xf32>
    %add3A_9 = arith.addf %dot_general3A_5, %add3A : vector<16384x64xf32>
    %get3A_10 = arith.constant 0 : index
    %get3A_11 = arith.constant 0 : index
    %get3A_12 = vector.load %arg5[%get3A_10, %get3A_11] : memref<1x64xf32, #tpu.memory_space<vmem>>, vector<1x64xf32>
    %mul3A = arith.constant 0.999994993 : f32
    %mul3A_13 = vector.broadcast %mul3A : f32 to vector<16384x64xf32>
    %mul3A_14 = arith.mulf %add3A_9, %mul3A_13 : vector<16384x64xf32>
    %mul3A_15 = vector.broadcast %get3A_12 : vector<1x64xf32> to vector<16384x64xf32>
    %mul3A_16 = arith.mulf %mul3A_15, %mul3A_14 : vector<16384x64xf32>
    %get3A_17 = arith.constant 0 : index
    %get3A_18 = arith.constant 0 : index
    %get3A_19 = vector.load %arg6[%get3A_17, %get3A_18] : memref<1x64xf32, #tpu.memory_space<vmem>>, vector<1x64xf32>
    %add3A_20 = vector.broadcast %get3A_19 : vector<1x64xf32> to vector<16384x64xf32>
    %add3A_21 = arith.addf %mul3A_16, %add3A_20 : vector<16384x64xf32>
    %max3A = arith.constant 0.000000e+00 : f32
    %max3A_22 = vector.broadcast %max3A : f32 to vector<16384x64xf32>
    %max3A_23 = arith.maximumf %add3A_21, %max3A_22 : vector<16384x64xf32>
    %get3A_24 = arith.constant 0 : index
    %get3A_25 = arith.constant 0 : index
    %get3A_26 = vector.load %arg7[%get3A_24, %get3A_25] : memref<64x64xf32, #tpu.memory_space<vmem>>, vector<64x64xf32>
    %dot_general3A_27 = arith.constant dense<0.000000e+00> : vector<16384x64xf32>
    %dot_general3A_28 = tpu.matmul %max3A_23, %get3A_26, %dot_general3A_27 {dimension_numbers = #tpu.dot_dimension_numbers<[1], [0], [0], [1], [0, 0, 1, 1], [], []>, transpose_lhs_hint = false} : vector<16384x64xf32>, vector<64x64xf32>, vector<16384x64xf32> -> vector<16384x64xf32>
    %get3A_29 = arith.constant 0 : index
    %get3A_30 = arith.constant 0 : index
    %get3A_31 = vector.load %arg8[%get3A_29, %get3A_30] : memref<1x64xf32, #tpu.memory_space<vmem>>, vector<1x64xf32>
    %add3A_32 = vector.broadcast %get3A_31 : vector<1x64xf32> to vector<16384x64xf32>
    %add3A_33 = arith.addf %dot_general3A_28, %add3A_32 : vector<16384x64xf32>
    %get3A_34 = arith.constant 0 : index
    %get3A_35 = arith.constant 0 : index
    %get3A_36 = vector.load %arg9[%get3A_34, %get3A_35] : memref<1x64xf32, #tpu.memory_space<vmem>>, vector<1x64xf32>
    %mul3A_37 = arith.constant 0.999994993 : f32
    %mul3A_38 = vector.broadcast %mul3A_37 : f32 to vector<16384x64xf32>
    %mul3A_39 = arith.mulf %add3A_33, %mul3A_38 : vector<16384x64xf32>
    %mul3A_40 = vector.broadcast %get3A_36 : vector<1x64xf32> to vector<16384x64xf32>
    %mul3A_41 = arith.mulf %mul3A_40, %mul3A_39 : vector<16384x64xf32>
    %get3A_42 = arith.constant 0 : index
    %get3A_43 = arith.constant 0 : index
    %get3A_44 = vector.load %arg10[%get3A_42, %get3A_43] : memref<1x64xf32, #tpu.memory_space<vmem>>, vector<1x64xf32>
    %add3A_45 = vector.broadcast %get3A_44 : vector<1x64xf32> to vector<16384x64xf32>
    %add3A_46 = arith.addf %mul3A_41, %add3A_45 : vector<16384x64xf32>
    %max3A_47 = arith.constant 0.000000e+00 : f32
    %max3A_48 = vector.broadcast %max3A_47 : f32 to vector<16384x64xf32>
    %max3A_49 = arith.maximumf %add3A_46, %max3A_48 : vector<16384x64xf32>
    %get3A_50 = arith.constant 0 : index
    %get3A_51 = arith.constant 0 : index
    %get3A_52 = vector.load %arg11[%get3A_50, %get3A_51] : memref<64x128xf32, #tpu.memory_space<vmem>>, vector<64x128xf32>
    %dot_general3A_53 = arith.constant dense<0.000000e+00> : vector<16384x128xf32>
    %dot_general3A_54 = tpu.matmul %max3A_49, %get3A_52, %dot_general3A_53 {dimension_numbers = #tpu.dot_dimension_numbers<[1], [0], [0], [1], [0, 0, 1, 1], [], []>, transpose_lhs_hint = false} : vector<16384x64xf32>, vector<64x128xf32>, vector<16384x128xf32> -> vector<16384x128xf32>
    %get3A_55 = arith.constant 0 : index
    %get3A_56 = arith.constant 0 : index
    %get3A_57 = vector.load %arg12[%get3A_55, %get3A_56] : memref<1x128xf32, #tpu.memory_space<vmem>>, vector<1x128xf32>
    %add3A_58 = vector.broadcast %get3A_57 : vector<1x128xf32> to vector<16384x128xf32>
    %add3A_59 = arith.addf %dot_general3A_54, %add3A_58 : vector<16384x128xf32>
    %reshape3A = vector.shape_cast %add3A_59 : vector<16384x128xf32> to vector<256x64x128xf32>
    %get3A_60 = arith.constant 0 : index
    %get3A_61 = arith.constant 0 : index
    %get3A_62 = vector.load %arg2[%get3A_60, %get3A_61] : memref<256x64xf32, #tpu.memory_space<vmem>>, vector<256x64xf32>
    %broadcast_in_dim3A = vector.shape_cast %get3A_62 : vector<256x64xf32> to vector<256x64x1xf32>
    %add3A_63 = vector.broadcast %broadcast_in_dim3A : vector<256x64x1xf32> to vector<256x64x128xf32>
    %add3A_64 = arith.addf %reshape3A, %add3A_63 : vector<256x64x128xf32>
    %reduce_max3A = arith.constant dense<0xFF800000> : vector<256x128xf32>
    %reduce_max3A_65 = vector.multi_reduction <maximumf>, %add3A_64, %reduce_max3A [1] : vector<256x64x128xf32> to vector<256x128xf32>
    %swap3A = arith.constant 0 : index
    %swap3A_66 = arith.constant 0 : index
    %swap3A_67 = vector.load %arg13[%swap3A, %swap3A_66] : memref<256x128xf32, #tpu.memory_space<vmem>>, vector<256x128xf32>
    tpu.vector_store %arg13[%swap3A, %swap3A_66], %reduce_max3A_65 {strides = array<i32>} : memref<256x128xf32, #tpu.memory_space<vmem>>, vector<256x128xf32>,
    return
  }
  func.func @transform_0(%arg0: i32) -> (i32, i32) {
    %c0_i32 = arith.constant 0 : i32
    %c0_i32_0 = arith.constant 0 : i32
    return %arg0, %c0_i32 : i32, i32
  }
  func.func @transform_1(%arg0: i32) -> (i32, i32) {
    %c0_i32 = arith.constant 0 : i32
    %c0_i32_0 = arith.constant 0 : i32
    return %arg0, %c0_i32 : i32, i32
  }
  func.func @transform_2(%arg0: i32) -> (i32, i32) {
    %c0_i32 = arith.constant 0 : i32
    %c0_i32_0 = arith.constant 0 : i32
    %c0_i32_1 = arith.constant 0 : i32
    return %c0_i32, %c0_i32_0 : i32, i32
  }
  func.func @transform_3(%arg0: i32) -> (i32, i32) {
    %c0_i32 = arith.constant 0 : i32
    %c0_i32_0 = arith.constant 0 : i32
    %c0_i32_1 = arith.constant 0 : i32
    return %c0_i32, %c0_i32_0 : i32, i32
  }
  func.func @transform_4(%arg0: i32) -> (i32, i32) {
    %c0_i32 = arith.constant 0 : i32
    %c0_i32_0 = arith.constant 0 : i32
    %c0_i32_1 = arith.constant 0 : i32
    return %c0_i32, %c0_i32_0 : i32, i32
  }
  func.func @transform_5(%arg0: i32) -> (i32, i32) {
    %c0_i32 = arith.constant 0 : i32
    %c0_i32_0 = arith.constant 0 : i32
    %c0_i32_1 = arith.constant 0 : i32
    return %c0_i32, %c0_i32_0 : i32, i32
  }
  func.func @transform_6(%arg0: i32) -> (i32, i32) {
    %c0_i32 = arith.constant 0 : i32
    %c0_i32_0 = arith.constant 0 : i32
    %c0_i32_1 = arith.constant 0 : i32
    return %c0_i32, %c0_i32_0 : i32, i32
  }
  func.func @transform_7(%arg0: i32) -> (i32, i32) {
    %c0_i32 = arith.constant 0 : i32
    %c0_i32_0 = arith.constant 0 : i32
    %c0_i32_1 = arith.constant 0 : i32
    return %c0_i32, %c0_i32_0 : i32, i32
  }
  func.func @transform_8(%arg0: i32) -> (i32, i32) {
    %c0_i32 = arith.constant 0 : i32
    %c0_i32_0 = arith.constant 0 : i32
    %c0_i32_1 = arith.constant 0 : i32
    return %c0_i32, %c0_i32_0 : i32, i32
  }
  func.func @transform_9(%arg0: i32) -> (i32, i32) {
    %c0_i32 = arith.constant 0 : i32
    %c0_i32_0 = arith.constant 0 : i32
    %c0_i32_1 = arith.constant 0 : i32
    return %c0_i32, %c0_i32_0 : i32, i32
  }
  func.func @transform_10(%arg0: i32) -> (i32, i32) {
    %c0_i32 = arith.constant 0 : i32
    %c0_i32_0 = arith.constant 0 : i32
    %c0_i32_1 = arith.constant 0 : i32
    return %c0_i32, %c0_i32_0 : i32, i32
  }
  func.func @transform_11(%arg0: i32) -> (i32, i32) {
    %c0_i32 = arith.constant 0 : i32
    %c0_i32_0 = arith.constant 0 : i32
    %c0_i32_1 = arith.constant 0 : i32
    return %c0_i32, %c0_i32_0 : i32, i32
  }
  func.func @transform_12(%arg0: i32) -> (i32, i32) {
    %c0_i32 = arith.constant 0 : i32
    %c0_i32_0 = arith.constant 0 : i32
    return %arg0, %c0_i32 : i32, i32
  }
}

module attributes {stable_mosaic.version = 14 : i64} {
  func.func @body(%arg0: i32, %arg1: memref<512x128xf32, #tpu.memory_space<vmem>>, %arg2: memref<64x64xi32, #tpu.memory_space<vmem>>, %arg3: memref<4096x3xf32, #tpu.memory_space<vmem>>, %arg4: memref<64x64xf32, #tpu.memory_space<vmem>>, %arg5: memref<131x128xf32, #tpu.memory_space<vmem>>, %arg6: memref<1x128xf32, #tpu.memory_space<vmem>>, %arg7: memref<1x128xf32, #tpu.memory_space<vmem>>, %arg8: memref<1x128xf32, #tpu.memory_space<vmem>>, %arg9: memref<128x128xf32, #tpu.memory_space<vmem>>, %arg10: memref<1x128xf32, #tpu.memory_space<vmem>>, %arg11: memref<1x128xf32, #tpu.memory_space<vmem>>, %arg12: memref<1x128xf32, #tpu.memory_space<vmem>>, %arg13: memref<128x256xf32, #tpu.memory_space<vmem>>, %arg14: memref<1x256xf32, #tpu.memory_space<vmem>>, %arg15: memref<64x256xf32, #tpu.memory_space<vmem>>) attributes {dimension_semantics = [#tpu.dimension_semantics<arbitrary>], iteration_bounds = array<i64: 32>, scalar_prefetch = 0 : i64, scratch_operands = 0 : i64, tpu.core_type = #tpu.core_type<tc>, window_params = [{transform_indices = @transform_0, window_bounds = array<i64: 512, 128>}, {transform_indices = @transform_1, window_bounds = array<i64: 64, 64>}, {transform_indices = @transform_2, window_bounds = array<i64: 4096, 3>}, {transform_indices = @transform_3, window_bounds = array<i64: 64, 64>}, {pipeline_mode = #tpu.pipeline_mode<synchronous>, transform_indices = @transform_4, window_bounds = array<i64: 131, 128>}, {pipeline_mode = #tpu.pipeline_mode<synchronous>, transform_indices = @transform_5, window_bounds = array<i64: 1, 128>}, {pipeline_mode = #tpu.pipeline_mode<synchronous>, transform_indices = @transform_6, window_bounds = array<i64: 1, 128>}, {pipeline_mode = #tpu.pipeline_mode<synchronous>, transform_indices = @transform_7, window_bounds = array<i64: 1, 128>}, {pipeline_mode = #tpu.pipeline_mode<synchronous>, transform_indices = @transform_8, window_bounds = array<i64: 128, 128>}, {pipeline_mode = #tpu.pipeline_mode<synchronous>, transform_indices = @transform_9, window_bounds = array<i64: 1, 128>}, {pipeline_mode = #tpu.pipeline_mode<synchronous>, transform_indices = @transform_10, window_bounds = array<i64: 1, 128>}, {pipeline_mode = #tpu.pipeline_mode<synchronous>, transform_indices = @transform_11, window_bounds = array<i64: 1, 128>}, {pipeline_mode = #tpu.pipeline_mode<synchronous>, transform_indices = @transform_12, window_bounds = array<i64: 128, 256>}, {pipeline_mode = #tpu.pipeline_mode<synchronous>, transform_indices = @transform_13, window_bounds = array<i64: 1, 256>}, {transform_indices = @transform_14, window_bounds = array<i64: 64, 256>}]} {
    %get3A = arith.constant 0 : index
    %get3A_0 = arith.constant 0 : index
    %get3A_1 = vector.load %arg2[%get3A, %get3A_0] : memref<64x64xi32, #tpu.memory_space<vmem>>, vector<64x64xi32>
    %broadcast_in_dim3A = vector.shape_cast %get3A_1 : vector<64x64xi32> to vector<64x64x1xi32>
    %iota3A = tpu.iota {dimensions = array<i32: 2>} : vector<64x64x512xi32>
    %eq3A = vector.broadcast %broadcast_in_dim3A : vector<64x64x1xi32> to vector<64x64x512xi32>
    %eq3A_2 = arith.cmpi eq, %eq3A, %iota3A : vector<64x64x512xi32>
    %jit3A = arith.constant 1.000000e+00 : f32
    %jit3A_3 = arith.constant 0.000000e+00 : f32
    %broadcast_in_dim3A_4 = vector.broadcast %jit3A : f32 to vector<64x64x512xf32>
    %broadcast_in_dim3A_5 = vector.broadcast %jit3A_3 : f32 to vector<64x64x512xf32>
    %select_n3A = arith.select %eq3A_2, %broadcast_in_dim3A_4, %broadcast_in_dim3A_5 : vector<64x64x512xi1>, vector<64x64x512xf32>
    %reshape3A = vector.shape_cast %select_n3A : vector<64x64x512xf32> to vector<4096x512xf32>
    %get3A_6 = arith.constant 0 : index
    %get3A_7 = arith.constant 0 : index
    %get3A_8 = vector.load %arg1[%get3A_6, %get3A_7] : memref<512x128xf32, #tpu.memory_space<vmem>>, vector<512x128xf32>
    %dot_general3A = arith.constant dense<0.000000e+00> : vector<4096x128xf32>
    %dot_general3A_9 = tpu.matmul %reshape3A, %get3A_8, %dot_general3A {dimension_numbers = #tpu.dot_dimension_numbers<[1], [0], [0], [1], [0, 0, 1, 1], [], []>, transpose_lhs_hint = false} : vector<4096x512xf32>, vector<512x128xf32>, vector<4096x128xf32> -> vector<4096x128xf32>
    %get3A_10 = arith.constant 0 : index
    %get3A_11 = arith.constant 0 : index
    %get3A_12 = vector.load %arg3[%get3A_10, %get3A_11] : memref<4096x3xf32, #tpu.memory_space<vmem>>, vector<4096x3xf32>
    %concatenate3A = tpu.concatenate %dot_general3A_9, %get3A_12 in 1 : vector<4096x128xf32>, vector<4096x3xf32> -> vector<4096x131xf32>
    %get3A_13 = arith.constant 0 : index
    %get3A_14 = arith.constant 0 : index
    %get3A_15 = vector.load %arg5[%get3A_13, %get3A_14] : memref<131x128xf32, #tpu.memory_space<vmem>>, vector<131x128xf32>
    %dot_general3A_16 = arith.constant dense<0.000000e+00> : vector<4096x128xf32>
    %dot_general3A_17 = tpu.matmul %concatenate3A, %get3A_15, %dot_general3A_16 {dimension_numbers = #tpu.dot_dimension_numbers<[1], [0], [0], [1], [0, 0, 1, 1], [], []>, transpose_lhs_hint = false} : vector<4096x131xf32>, vector<131x128xf32>, vector<4096x128xf32> -> vector<4096x128xf32>
    %get3A_18 = arith.constant 0 : index
    %get3A_19 = arith.constant 0 : index
    %get3A_20 = vector.load %arg6[%get3A_18, %get3A_19] : memref<1x128xf32, #tpu.memory_space<vmem>>, vector<1x128xf32>
    %add3A = vector.broadcast %get3A_20 : vector<1x128xf32> to vector<4096x128xf32>
    %add3A_21 = arith.addf %dot_general3A_17, %add3A : vector<4096x128xf32>
    %get3A_22 = arith.constant 0 : index
    %get3A_23 = arith.constant 0 : index
    %get3A_24 = vector.load %arg7[%get3A_22, %get3A_23] : memref<1x128xf32, #tpu.memory_space<vmem>>, vector<1x128xf32>
    %mul3A = arith.constant 0.999994993 : f32
    %mul3A_25 = vector.broadcast %mul3A : f32 to vector<4096x128xf32>
    %mul3A_26 = arith.mulf %add3A_21, %mul3A_25 : vector<4096x128xf32>
    %mul3A_27 = vector.broadcast %get3A_24 : vector<1x128xf32> to vector<4096x128xf32>
    %mul3A_28 = arith.mulf %mul3A_27, %mul3A_26 : vector<4096x128xf32>
    %get3A_29 = arith.constant 0 : index
    %get3A_30 = arith.constant 0 : index
    %get3A_31 = vector.load %arg8[%get3A_29, %get3A_30] : memref<1x128xf32, #tpu.memory_space<vmem>>, vector<1x128xf32>
    %add3A_32 = vector.broadcast %get3A_31 : vector<1x128xf32> to vector<4096x128xf32>
    %add3A_33 = arith.addf %mul3A_28, %add3A_32 : vector<4096x128xf32>
    %max3A = arith.constant 0.000000e+00 : f32
    %max3A_34 = vector.broadcast %max3A : f32 to vector<4096x128xf32>
    %max3A_35 = arith.maximumf %add3A_33, %max3A_34 : vector<4096x128xf32>
    %get3A_36 = arith.constant 0 : index
    %get3A_37 = arith.constant 0 : index
    %get3A_38 = vector.load %arg9[%get3A_36, %get3A_37] : memref<128x128xf32, #tpu.memory_space<vmem>>, vector<128x128xf32>
    %dot_general3A_39 = arith.constant dense<0.000000e+00> : vector<4096x128xf32>
    %dot_general3A_40 = tpu.matmul %max3A_35, %get3A_38, %dot_general3A_39 {dimension_numbers = #tpu.dot_dimension_numbers<[1], [0], [0], [1], [0, 0, 1, 1], [], []>, transpose_lhs_hint = false} : vector<4096x128xf32>, vector<128x128xf32>, vector<4096x128xf32> -> vector<4096x128xf32>
    %get3A_41 = arith.constant 0 : index
    %get3A_42 = arith.constant 0 : index
    %get3A_43 = vector.load %arg10[%get3A_41, %get3A_42] : memref<1x128xf32, #tpu.memory_space<vmem>>, vector<1x128xf32>
    %add3A_44 = vector.broadcast %get3A_43 : vector<1x128xf32> to vector<4096x128xf32>
    %add3A_45 = arith.addf %dot_general3A_40, %add3A_44 : vector<4096x128xf32>
    %get3A_46 = arith.constant 0 : index
    %get3A_47 = arith.constant 0 : index
    %get3A_48 = vector.load %arg11[%get3A_46, %get3A_47] : memref<1x128xf32, #tpu.memory_space<vmem>>, vector<1x128xf32>
    %mul3A_49 = arith.constant 0.999994993 : f32
    %mul3A_50 = vector.broadcast %mul3A_49 : f32 to vector<4096x128xf32>
    %mul3A_51 = arith.mulf %add3A_45, %mul3A_50 : vector<4096x128xf32>
    %mul3A_52 = vector.broadcast %get3A_48 : vector<1x128xf32> to vector<4096x128xf32>
    %mul3A_53 = arith.mulf %mul3A_52, %mul3A_51 : vector<4096x128xf32>
    %get3A_54 = arith.constant 0 : index
    %get3A_55 = arith.constant 0 : index
    %get3A_56 = vector.load %arg12[%get3A_54, %get3A_55] : memref<1x128xf32, #tpu.memory_space<vmem>>, vector<1x128xf32>
    %add3A_57 = vector.broadcast %get3A_56 : vector<1x128xf32> to vector<4096x128xf32>
    %add3A_58 = arith.addf %mul3A_53, %add3A_57 : vector<4096x128xf32>
    %max3A_59 = arith.constant 0.000000e+00 : f32
    %max3A_60 = vector.broadcast %max3A_59 : f32 to vector<4096x128xf32>
    %max3A_61 = arith.maximumf %add3A_58, %max3A_60 : vector<4096x128xf32>
    %get3A_62 = arith.constant 0 : index
    %get3A_63 = arith.constant 0 : index
    %get3A_64 = vector.load %arg13[%get3A_62, %get3A_63] : memref<128x256xf32, #tpu.memory_space<vmem>>, vector<128x256xf32>
    %dot_general3A_65 = arith.constant dense<0.000000e+00> : vector<4096x256xf32>
    %dot_general3A_66 = tpu.matmul %max3A_61, %get3A_64, %dot_general3A_65 {dimension_numbers = #tpu.dot_dimension_numbers<[1], [0], [0], [1], [0, 0, 1, 1], [], []>, transpose_lhs_hint = false} : vector<4096x128xf32>, vector<128x256xf32>, vector<4096x256xf32> -> vector<4096x256xf32>
    %get3A_67 = arith.constant 0 : index
    %get3A_68 = arith.constant 0 : index
    %get3A_69 = vector.load %arg14[%get3A_67, %get3A_68] : memref<1x256xf32, #tpu.memory_space<vmem>>, vector<1x256xf32>
    %add3A_70 = vector.broadcast %get3A_69 : vector<1x256xf32> to vector<4096x256xf32>
    %add3A_71 = arith.addf %dot_general3A_66, %add3A_70 : vector<4096x256xf32>
    %reshape3A_72 = vector.shape_cast %add3A_71 : vector<4096x256xf32> to vector<64x64x256xf32>
    %get3A_73 = arith.constant 0 : index
    %get3A_74 = arith.constant 0 : index
    %get3A_75 = vector.load %arg4[%get3A_73, %get3A_74] : memref<64x64xf32, #tpu.memory_space<vmem>>, vector<64x64xf32>
    %broadcast_in_dim3A_76 = vector.shape_cast %get3A_75 : vector<64x64xf32> to vector<64x64x1xf32>
    %add3A_77 = vector.broadcast %broadcast_in_dim3A_76 : vector<64x64x1xf32> to vector<64x64x256xf32>
    %add3A_78 = arith.addf %reshape3A_72, %add3A_77 : vector<64x64x256xf32>
    %reduce_max3A = arith.constant dense<0xFF800000> : vector<64x256xf32>
    %reduce_max3A_79 = vector.multi_reduction <maximumf>, %add3A_78, %reduce_max3A [1] : vector<64x64x256xf32> to vector<64x256xf32>
    %swap3A = arith.constant 0 : index
    %swap3A_80 = arith.constant 0 : index
    %swap3A_81 = vector.load %arg15[%swap3A, %swap3A_80] : memref<64x256xf32, #tpu.memory_space<vmem>>, vector<64x256xf32>
    tpu.vector_store %arg15[%swap3A, %swap3A_80], %reduce_max3A_79 {strides = array<i32>} : memref<64x256xf32, #tpu.memory_space<vmem>>, vector<64x256xf32>,
    return
  }
  func.func @transform_0(%arg0: i32) -> (i32, i32) {
    %jit3A = arith.constant 2 : i32
    %div3A = arith.divsi %arg0, %jit3A : i32
    %sign3A = arith.constant 0 : i32
    %sign3A_0 = arith.cmpi sgt, %arg0, %sign3A : i32
    %sign3A_1 = arith.extui %sign3A_0 : i1 to i32
    %sign3A_2 = arith.constant 0 : i32
    %sign3A_3 = arith.cmpi slt, %arg0, %sign3A_2 : i32
    %sign3A_4 = arith.extui %sign3A_3 : i1 to i32
    %sign3A_5 = arith.subi %sign3A_1, %sign3A_4 : i32
    %sign3A_6 = arith.constant 0 : i32
    %sign3A_7 = arith.cmpi sgt, %jit3A, %sign3A_6 : i32
    %sign3A_8 = arith.extui %sign3A_7 : i1 to i32
    %sign3A_9 = arith.constant 0 : i32
    %sign3A_10 = arith.cmpi slt, %jit3A, %sign3A_9 : i32
    %sign3A_11 = arith.extui %sign3A_10 : i1 to i32
    %sign3A_12 = arith.subi %sign3A_8, %sign3A_11 : i32
    %ne3A = arith.cmpi ne, %sign3A_5, %sign3A_12 : i32
    %rem3A = arith.remsi %arg0, %jit3A : i32
    %ne3A_13 = arith.constant 0 : i32
    %ne3A_14 = arith.cmpi ne, %rem3A, %ne3A_13 : i32
    %and3A = arith.andi %ne3A, %ne3A_14 : i1
    %sub3A = arith.constant 1 : i32
    %sub3A_15 = arith.subi %div3A, %sub3A : i32
    %select_n3A = arith.select %and3A, %sub3A_15, %div3A : i32
    %c0_i32 = arith.constant 0 : i32
    %c0_i32_16 = arith.constant 0 : i32
    return %select_n3A, %c0_i32 : i32, i32
  }
  func.func @transform_1(%arg0: i32) -> (i32, i32) {
    %c0_i32 = arith.constant 0 : i32
    %c0_i32_0 = arith.constant 0 : i32
    return %arg0, %c0_i32 : i32, i32
  }
  func.func @transform_2(%arg0: i32) -> (i32, i32) {
    %c0_i32 = arith.constant 0 : i32
    %c0_i32_0 = arith.constant 0 : i32
    return %arg0, %c0_i32 : i32, i32
  }
  func.func @transform_3(%arg0: i32) -> (i32, i32) {
    %c0_i32 = arith.constant 0 : i32
    %c0_i32_0 = arith.constant 0 : i32
    return %arg0, %c0_i32 : i32, i32
  }
  func.func @transform_4(%arg0: i32) -> (i32, i32) {
    %c0_i32 = arith.constant 0 : i32
    %c0_i32_0 = arith.constant 0 : i32
    %c0_i32_1 = arith.constant 0 : i32
    return %c0_i32, %c0_i32_0 : i32, i32
  }
  func.func @transform_5(%arg0: i32) -> (i32, i32) {
    %c0_i32 = arith.constant 0 : i32
    %c0_i32_0 = arith.constant 0 : i32
    %c0_i32_1 = arith.constant 0 : i32
    return %c0_i32, %c0_i32_0 : i32, i32
  }
  func.func @transform_6(%arg0: i32) -> (i32, i32) {
    %c0_i32 = arith.constant 0 : i32
    %c0_i32_0 = arith.constant 0 : i32
    %c0_i32_1 = arith.constant 0 : i32
    return %c0_i32, %c0_i32_0 : i32, i32
  }
  func.func @transform_7(%arg0: i32) -> (i32, i32) {
    %c0_i32 = arith.constant 0 : i32
    %c0_i32_0 = arith.constant 0 : i32
    %c0_i32_1 = arith.constant 0 : i32
    return %c0_i32, %c0_i32_0 : i32, i32
  }
  func.func @transform_8(%arg0: i32) -> (i32, i32) {
    %c0_i32 = arith.constant 0 : i32
    %c0_i32_0 = arith.constant 0 : i32
    %c0_i32_1 = arith.constant 0 : i32
    return %c0_i32, %c0_i32_0 : i32, i32
  }
  func.func @transform_9(%arg0: i32) -> (i32, i32) {
    %c0_i32 = arith.constant 0 : i32
    %c0_i32_0 = arith.constant 0 : i32
    %c0_i32_1 = arith.constant 0 : i32
    return %c0_i32, %c0_i32_0 : i32, i32
  }
  func.func @transform_10(%arg0: i32) -> (i32, i32) {
    %c0_i32 = arith.constant 0 : i32
    %c0_i32_0 = arith.constant 0 : i32
    %c0_i32_1 = arith.constant 0 : i32
    return %c0_i32, %c0_i32_0 : i32, i32
  }
  func.func @transform_11(%arg0: i32) -> (i32, i32) {
    %c0_i32 = arith.constant 0 : i32
    %c0_i32_0 = arith.constant 0 : i32
    %c0_i32_1 = arith.constant 0 : i32
    return %c0_i32, %c0_i32_0 : i32, i32
  }
  func.func @transform_12(%arg0: i32) -> (i32, i32) {
    %c0_i32 = arith.constant 0 : i32
    %c0_i32_0 = arith.constant 0 : i32
    %c0_i32_1 = arith.constant 0 : i32
    return %c0_i32, %c0_i32_0 : i32, i32
  }
  func.func @transform_13(%arg0: i32) -> (i32, i32) {
    %c0_i32 = arith.constant 0 : i32
    %c0_i32_0 = arith.constant 0 : i32
    %c0_i32_1 = arith.constant 0 : i32
    return %c0_i32, %c0_i32_0 : i32, i32
  }
  func.func @transform_14(%arg0: i32) -> (i32, i32) {
    %c0_i32 = arith.constant 0 : i32
    %c0_i32_0 = arith.constant 0 : i32
    return %arg0, %c0_i32 : i32, i32
  }
}

module attributes {stable_mosaic.version = 14 : i64} {
  func.func @body(%arg0: memref<2048x256xf32, #tpu.memory_space<vmem>>, %arg1: memref<2048x3xf32, #tpu.memory_space<vmem>>, %arg2: memref<259x256xf32, #tpu.memory_space<vmem>>, %arg3: memref<1x256xf32, #tpu.memory_space<vmem>>, %arg4: memref<1x256xf32, #tpu.memory_space<vmem>>, %arg5: memref<1x256xf32, #tpu.memory_space<vmem>>, %arg6: memref<256x512xf32, #tpu.memory_space<vmem>>, %arg7: memref<1x512xf32, #tpu.memory_space<vmem>>, %arg8: memref<1x512xf32, #tpu.memory_space<vmem>>, %arg9: memref<1x512xf32, #tpu.memory_space<vmem>>, %arg10: memref<512x1024xf32, #tpu.memory_space<vmem>>, %arg11: memref<1x1024xf32, #tpu.memory_space<vmem>>, %arg12: memref<1024x512xf32, #tpu.memory_space<vmem>>, %arg13: memref<1x512xf32, #tpu.memory_space<vmem>>, %arg14: memref<512x256xf32, #tpu.memory_space<vmem>>, %arg15: memref<1x256xf32, #tpu.memory_space<vmem>>, %arg16: memref<256x10xf32, #tpu.memory_space<vmem>>, %arg17: memref<1x10xf32, #tpu.memory_space<vmem>>, %arg18: memref<1024x512xf32, #tpu.memory_space<vmem>>, %arg19: memref<1x512xf32, #tpu.memory_space<vmem>>, %arg20: memref<512x256xf32, #tpu.memory_space<vmem>>, %arg21: memref<1x256xf32, #tpu.memory_space<vmem>>, %arg22: memref<256x1xf32, #tpu.memory_space<vmem>>, %arg23: memref<1x1xf32, #tpu.memory_space<vmem>>, %arg24: memref<16x10xf32, #tpu.memory_space<vmem>>, %arg25: memref<16x1xf32, #tpu.memory_space<vmem>>) attributes {dimension_semantics = [], scalar_prefetch = 0 : i64, scratch_operands = 0 : i64, tpu.core_type = #tpu.core_type<tc>} {
    %get3A = arith.constant 0 : index
    %get3A_0 = arith.constant 0 : index
    %get3A_1 = vector.load %arg0[%get3A, %get3A_0] : memref<2048x256xf32, #tpu.memory_space<vmem>>, vector<2048x256xf32>
    %get3A_2 = arith.constant 0 : index
    %get3A_3 = arith.constant 0 : index
    %get3A_4 = vector.load %arg1[%get3A_2, %get3A_3] : memref<2048x3xf32, #tpu.memory_space<vmem>>, vector<2048x3xf32>
    %concatenate3A = tpu.concatenate %get3A_1, %get3A_4 in 1 : vector<2048x256xf32>, vector<2048x3xf32> -> vector<2048x259xf32>
    %get3A_5 = arith.constant 0 : index
    %get3A_6 = arith.constant 0 : index
    %get3A_7 = vector.load %arg2[%get3A_5, %get3A_6] : memref<259x256xf32, #tpu.memory_space<vmem>>, vector<259x256xf32>
    %dot_general3A = arith.constant dense<0.000000e+00> : vector<2048x256xf32>
    %dot_general3A_8 = tpu.matmul %concatenate3A, %get3A_7, %dot_general3A {dimension_numbers = #tpu.dot_dimension_numbers<[1], [0], [0], [1], [0, 0, 1, 1], [], []>, transpose_lhs_hint = false} : vector<2048x259xf32>, vector<259x256xf32>, vector<2048x256xf32> -> vector<2048x256xf32>
    %get3A_9 = arith.constant 0 : index
    %get3A_10 = arith.constant 0 : index
    %get3A_11 = vector.load %arg3[%get3A_9, %get3A_10] : memref<1x256xf32, #tpu.memory_space<vmem>>, vector<1x256xf32>
    %add3A = vector.broadcast %get3A_11 : vector<1x256xf32> to vector<2048x256xf32>
    %add3A_12 = arith.addf %dot_general3A_8, %add3A : vector<2048x256xf32>
    %get3A_13 = arith.constant 0 : index
    %get3A_14 = arith.constant 0 : index
    %get3A_15 = vector.load %arg4[%get3A_13, %get3A_14] : memref<1x256xf32, #tpu.memory_space<vmem>>, vector<1x256xf32>
    %mul3A = arith.constant 0.999994993 : f32
    %mul3A_16 = vector.broadcast %mul3A : f32 to vector<2048x256xf32>
    %mul3A_17 = arith.mulf %add3A_12, %mul3A_16 : vector<2048x256xf32>
    %mul3A_18 = vector.broadcast %get3A_15 : vector<1x256xf32> to vector<2048x256xf32>
    %mul3A_19 = arith.mulf %mul3A_18, %mul3A_17 : vector<2048x256xf32>
    %get3A_20 = arith.constant 0 : index
    %get3A_21 = arith.constant 0 : index
    %get3A_22 = vector.load %arg5[%get3A_20, %get3A_21] : memref<1x256xf32, #tpu.memory_space<vmem>>, vector<1x256xf32>
    %add3A_23 = vector.broadcast %get3A_22 : vector<1x256xf32> to vector<2048x256xf32>
    %add3A_24 = arith.addf %mul3A_19, %add3A_23 : vector<2048x256xf32>
    %max3A = arith.constant 0.000000e+00 : f32
    %max3A_25 = vector.broadcast %max3A : f32 to vector<2048x256xf32>
    %max3A_26 = arith.maximumf %add3A_24, %max3A_25 : vector<2048x256xf32>
    %get3A_27 = arith.constant 0 : index
    %get3A_28 = arith.constant 0 : index
    %get3A_29 = vector.load %arg6[%get3A_27, %get3A_28] : memref<256x512xf32, #tpu.memory_space<vmem>>, vector<256x512xf32>
    %dot_general3A_30 = arith.constant dense<0.000000e+00> : vector<2048x512xf32>
    %dot_general3A_31 = tpu.matmul %max3A_26, %get3A_29, %dot_general3A_30 {dimension_numbers = #tpu.dot_dimension_numbers<[1], [0], [0], [1], [0, 0, 1, 1], [], []>, transpose_lhs_hint = false} : vector<2048x256xf32>, vector<256x512xf32>, vector<2048x512xf32> -> vector<2048x512xf32>
    %get3A_32 = arith.constant 0 : index
    %get3A_33 = arith.constant 0 : index
    %get3A_34 = vector.load %arg7[%get3A_32, %get3A_33] : memref<1x512xf32, #tpu.memory_space<vmem>>, vector<1x512xf32>
    %add3A_35 = vector.broadcast %get3A_34 : vector<1x512xf32> to vector<2048x512xf32>
    %add3A_36 = arith.addf %dot_general3A_31, %add3A_35 : vector<2048x512xf32>
    %get3A_37 = arith.constant 0 : index
    %get3A_38 = arith.constant 0 : index
    %get3A_39 = vector.load %arg8[%get3A_37, %get3A_38] : memref<1x512xf32, #tpu.memory_space<vmem>>, vector<1x512xf32>
    %mul3A_40 = arith.constant 0.999994993 : f32
    %mul3A_41 = vector.broadcast %mul3A_40 : f32 to vector<2048x512xf32>
    %mul3A_42 = arith.mulf %add3A_36, %mul3A_41 : vector<2048x512xf32>
    %mul3A_43 = vector.broadcast %get3A_39 : vector<1x512xf32> to vector<2048x512xf32>
    %mul3A_44 = arith.mulf %mul3A_43, %mul3A_42 : vector<2048x512xf32>
    %get3A_45 = arith.constant 0 : index
    %get3A_46 = arith.constant 0 : index
    %get3A_47 = vector.load %arg9[%get3A_45, %get3A_46] : memref<1x512xf32, #tpu.memory_space<vmem>>, vector<1x512xf32>
    %add3A_48 = vector.broadcast %get3A_47 : vector<1x512xf32> to vector<2048x512xf32>
    %add3A_49 = arith.addf %mul3A_44, %add3A_48 : vector<2048x512xf32>
    %max3A_50 = arith.constant 0.000000e+00 : f32
    %max3A_51 = vector.broadcast %max3A_50 : f32 to vector<2048x512xf32>
    %max3A_52 = arith.maximumf %add3A_49, %max3A_51 : vector<2048x512xf32>
    %get3A_53 = arith.constant 0 : index
    %get3A_54 = arith.constant 0 : index
    %get3A_55 = vector.load %arg10[%get3A_53, %get3A_54] : memref<512x1024xf32, #tpu.memory_space<vmem>>, vector<512x1024xf32>
    %dot_general3A_56 = arith.constant dense<0.000000e+00> : vector<2048x1024xf32>
    %dot_general3A_57 = tpu.matmul %max3A_52, %get3A_55, %dot_general3A_56 {dimension_numbers = #tpu.dot_dimension_numbers<[1], [0], [0], [1], [0, 0, 1, 1], [], []>, transpose_lhs_hint = false} : vector<2048x512xf32>, vector<512x1024xf32>, vector<2048x1024xf32> -> vector<2048x1024xf32>
    %get3A_58 = arith.constant 0 : index
    %get3A_59 = arith.constant 0 : index
    %get3A_60 = vector.load %arg11[%get3A_58, %get3A_59] : memref<1x1024xf32, #tpu.memory_space<vmem>>, vector<1x1024xf32>
    %add3A_61 = vector.broadcast %get3A_60 : vector<1x1024xf32> to vector<2048x1024xf32>
    %add3A_62 = arith.addf %dot_general3A_57, %add3A_61 : vector<2048x1024xf32>
    %reshape3A = vector.shape_cast %add3A_62 : vector<2048x1024xf32> to vector<16x128x1024xf32>
    %reduce_max3A = arith.constant dense<0xFF800000> : vector<16x1024xf32>
    %reduce_max3A_63 = vector.multi_reduction <maximumf>, %reshape3A, %reduce_max3A [1] : vector<16x128x1024xf32> to vector<16x1024xf32>
    %get3A_64 = arith.constant 0 : index
    %get3A_65 = arith.constant 0 : index
    %get3A_66 = vector.load %arg12[%get3A_64, %get3A_65] : memref<1024x512xf32, #tpu.memory_space<vmem>>, vector<1024x512xf32>
    %dot_general3A_67 = arith.constant dense<0.000000e+00> : vector<16x512xf32>
    %dot_general3A_68 = tpu.matmul %reduce_max3A_63, %get3A_66, %dot_general3A_67 {dimension_numbers = #tpu.dot_dimension_numbers<[1], [0], [0], [1], [0, 0, 1, 1], [], []>, transpose_lhs_hint = false} : vector<16x1024xf32>, vector<1024x512xf32>, vector<16x512xf32> -> vector<16x512xf32>
    %get3A_69 = arith.constant 0 : index
    %get3A_70 = arith.constant 0 : index
    %get3A_71 = vector.load %arg13[%get3A_69, %get3A_70] : memref<1x512xf32, #tpu.memory_space<vmem>>, vector<1x512xf32>
    %add3A_72 = vector.broadcast %get3A_71 : vector<1x512xf32> to vector<16x512xf32>
    %add3A_73 = arith.addf %dot_general3A_68, %add3A_72 : vector<16x512xf32>
    %get3A_74 = arith.constant 0 : index
    %get3A_75 = arith.constant 0 : index
    %get3A_76 = vector.load %arg14[%get3A_74, %get3A_75] : memref<512x256xf32, #tpu.memory_space<vmem>>, vector<512x256xf32>
    %dot_general3A_77 = arith.constant dense<0.000000e+00> : vector<16x256xf32>
    %dot_general3A_78 = tpu.matmul %add3A_73, %get3A_76, %dot_general3A_77 {dimension_numbers = #tpu.dot_dimension_numbers<[1], [0], [0], [1], [0, 0, 1, 1], [], []>, transpose_lhs_hint = false} : vector<16x512xf32>, vector<512x256xf32>, vector<16x256xf32> -> vector<16x256xf32>
    %get3A_79 = arith.constant 0 : index
    %get3A_80 = arith.constant 0 : index
    %get3A_81 = vector.load %arg15[%get3A_79, %get3A_80] : memref<1x256xf32, #tpu.memory_space<vmem>>, vector<1x256xf32>
    %add3A_82 = vector.broadcast %get3A_81 : vector<1x256xf32> to vector<16x256xf32>
    %add3A_83 = arith.addf %dot_general3A_78, %add3A_82 : vector<16x256xf32>
    %get3A_84 = arith.constant 0 : index
    %get3A_85 = arith.constant 0 : index
    %get3A_86 = vector.load %arg16[%get3A_84, %get3A_85] : memref<256x10xf32, #tpu.memory_space<vmem>>, vector<256x10xf32>
    %dot_general3A_87 = arith.constant dense<0.000000e+00> : vector<16x10xf32>
    %dot_general3A_88 = tpu.matmul %add3A_83, %get3A_86, %dot_general3A_87 {dimension_numbers = #tpu.dot_dimension_numbers<[1], [0], [0], [1], [0, 0, 1, 1], [], []>, transpose_lhs_hint = false} : vector<16x256xf32>, vector<256x10xf32>, vector<16x10xf32> -> vector<16x10xf32>
    %get3A_89 = arith.constant 0 : index
    %get3A_90 = arith.constant 0 : index
    %get3A_91 = vector.load %arg17[%get3A_89, %get3A_90] : memref<1x10xf32, #tpu.memory_space<vmem>>, vector<1x10xf32>
    %add3A_92 = vector.broadcast %get3A_91 : vector<1x10xf32> to vector<16x10xf32>
    %add3A_93 = arith.addf %dot_general3A_88, %add3A_92 : vector<16x10xf32>
    %reduce_max3A_94 = arith.constant dense<0xFF800000> : vector<16xf32>
    %reduce_max3A_95 = vector.multi_reduction <maximumf>, %add3A_93, %reduce_max3A_94 [1] : vector<16x10xf32> to vector<16xf32>
    %broadcast_in_dim3A = vector.shape_cast %reduce_max3A_95 : vector<16xf32> to vector<16x1xf32>
    %sub3A = vector.broadcast %broadcast_in_dim3A : vector<16x1xf32> to vector<16x10xf32>
    %sub3A_96 = arith.subf %add3A_93, %sub3A : vector<16x10xf32>
    %exp3A = math.exp %sub3A_96 : vector<16x10xf32>
    %reduce_sum3A = arith.constant dense<0.000000e+00> : vector<16xf32>
    %reduce_sum3A_97 = vector.multi_reduction <add>, %exp3A, %reduce_sum3A [1] : vector<16x10xf32> to vector<16xf32>
    %broadcast_in_dim3A_98 = vector.shape_cast %reduce_sum3A_97 : vector<16xf32> to vector<16x1xf32>
    %div3A = vector.broadcast %broadcast_in_dim3A_98 : vector<16x1xf32> to vector<16x10xf32>
    %div3A_99 = arith.divf %exp3A, %div3A : vector<16x10xf32>
    %swap3A = arith.constant 0 : index
    %swap3A_100 = arith.constant 0 : index
    %swap3A_101 = vector.load %arg24[%swap3A, %swap3A_100] : memref<16x10xf32, #tpu.memory_space<vmem>>, vector<16x10xf32>
    tpu.vector_store %arg24[%swap3A, %swap3A_100], %div3A_99 {strides = array<i32>} : memref<16x10xf32, #tpu.memory_space<vmem>>, vector<16x10xf32>,
    %get3A_102 = arith.constant 0 : index
    %get3A_103 = arith.constant 0 : index
    %get3A_104 = vector.load %arg18[%get3A_102, %get3A_103] : memref<1024x512xf32, #tpu.memory_space<vmem>>, vector<1024x512xf32>
    %dot_general3A_105 = arith.constant dense<0.000000e+00> : vector<16x512xf32>
    %dot_general3A_106 = tpu.matmul %reduce_max3A_63, %get3A_104, %dot_general3A_105 {dimension_numbers = #tpu.dot_dimension_numbers<[1], [0], [0], [1], [0, 0, 1, 1], [], []>, transpose_lhs_hint = false} : vector<16x1024xf32>, vector<1024x512xf32>, vector<16x512xf32> -> vector<16x512xf32>
    %get3A_107 = arith.constant 0 : index
    %get3A_108 = arith.constant 0 : index
    %get3A_109 = vector.load %arg19[%get3A_107, %get3A_108] : memref<1x512xf32, #tpu.memory_space<vmem>>, vector<1x512xf32>
    %add3A_110 = vector.broadcast %get3A_109 : vector<1x512xf32> to vector<16x512xf32>
    %add3A_111 = arith.addf %dot_general3A_106, %add3A_110 : vector<16x512xf32>
    %get3A_112 = arith.constant 0 : index
    %get3A_113 = arith.constant 0 : index
    %get3A_114 = vector.load %arg20[%get3A_112, %get3A_113] : memref<512x256xf32, #tpu.memory_space<vmem>>, vector<512x256xf32>
    %dot_general3A_115 = arith.constant dense<0.000000e+00> : vector<16x256xf32>
    %dot_general3A_116 = tpu.matmul %add3A_111, %get3A_114, %dot_general3A_115 {dimension_numbers = #tpu.dot_dimension_numbers<[1], [0], [0], [1], [0, 0, 1, 1], [], []>, transpose_lhs_hint = false} : vector<16x512xf32>, vector<512x256xf32>, vector<16x256xf32> -> vector<16x256xf32>
    %get3A_117 = arith.constant 0 : index
    %get3A_118 = arith.constant 0 : index
    %get3A_119 = vector.load %arg21[%get3A_117, %get3A_118] : memref<1x256xf32, #tpu.memory_space<vmem>>, vector<1x256xf32>
    %add3A_120 = vector.broadcast %get3A_119 : vector<1x256xf32> to vector<16x256xf32>
    %add3A_121 = arith.addf %dot_general3A_116, %add3A_120 : vector<16x256xf32>
    %get3A_122 = arith.constant 0 : index
    %get3A_123 = arith.constant 0 : index
    %get3A_124 = vector.load %arg22[%get3A_122, %get3A_123] : memref<256x1xf32, #tpu.memory_space<vmem>>, vector<256x1xf32>
    %dot_general3A_125 = arith.constant dense<0.000000e+00> : vector<16x1xf32>
    %dot_general3A_126 = tpu.matmul %add3A_121, %get3A_124, %dot_general3A_125 {dimension_numbers = #tpu.dot_dimension_numbers<[1], [0], [0], [1], [0, 0, 1, 1], [], []>, transpose_lhs_hint = false} : vector<16x256xf32>, vector<256x1xf32>, vector<16x1xf32> -> vector<16x1xf32>
    %get3A_127 = arith.constant 0 : index
    %get3A_128 = arith.constant 0 : index
    %get3A_129 = vector.load %arg23[%get3A_127, %get3A_128] : memref<1x1xf32, #tpu.memory_space<vmem>>, vector<1x1xf32>
    %add3A_130 = vector.broadcast %get3A_129 : vector<1x1xf32> to vector<16x1xf32>
    %add3A_131 = arith.addf %dot_general3A_126, %add3A_130 : vector<16x1xf32>
    %swap3A_132 = arith.constant 0 : index
    %swap3A_133 = arith.constant 0 : index
    %swap3A_134 = vector.load %arg25[%swap3A_132, %swap3A_133] : memref<16x1xf32, #tpu.memory_space<vmem>>, vector<16x1xf32>
    tpu.vector_store %arg25[%swap3A_132, %swap3A_133], %add3A_131 {strides = array<i32>} : memref<16x1xf32, #tpu.memory_space<vmem>>, vector<16x1xf32>,
    return
  }
}

</mosaic_0001>

<sc_bundles>
// kernel: kernel.12.cloned.1.call-start
scs
__scs_entry_jumppad:
0x0: {  	(pc) =	sbr.rel $0x88, $3  }
0x1: {  	(tag) =	ssettag $0x0;
	lr =	simm.s32 $0x1  }
0x2: {  	[smem:$0x3F76] =	sst lr;
	_ =	strace $0xD0000000  }
0x3: {  	_ = 	snop  }
0x4: {  	_ = 	snop  }
0x5: {  	_ = 	snop  }
0x6: {  	_ = 	snop  }
0x7: {  	_ = 	snop  }
__scs_overlays_trampoline_lowered:
0x8: {  	[smem:$0x3F85] =	sst s0  }
0x9: {  	[smem:$0x3F86] =	sst s1  }
0xa: {  	[smem:$0x3F87] =	sst s2  }
0xb: {  	[smem:$0x3F88] =	sst s3  }
0xc: {  	[smem:$0x3F89] =	sst s4  }
0xd: {  	[smem:$0x3F8A] =	sst s5  }
0xe: {  	[smem:$0x3F8B] =	sst s6  }
0xf: {  	[smem:$0x3F8C] =	sst s7  }
0x10: {  	[smem:$0x3F8D] =	sst s8  }
0x11: {  	[smem:$0x3F8E] =	sst s9;
	s0 =	simm.s32 @!p0 $0x0  }
0x12: {  	s1 =	sld [smem:$0x3F74];
	s0 =	simm.s32 @p0 $0x1  }
0x13: {  	[smem:$0x3F8F] =	sst s0;
	s0 =	simm.s32 @!p1 $0x0  }
0x14: {  	s2 =	sld [smem:$0x3F73];
	s0 =	simm.s32 @p1 $0x1  }
0x15: {  	[smem:$0x3F90] =	sst s0;
	s0 =	simm.s32 @!p2 $0x0  }
0x16: {  	s3 =	sld [smem:$0x3FDB];
	s0 =	simm.s32 @p2 $0x1  }
0x17: {  	s4 =	simm.s32 $0x1BF5;
	[smem:$0x3F92] =	sst s0  }
0x18: {  	s0 =	sld [smem:$0x3F75];
	_ =	swait.ge [sflag:s4], $0x0  }
0x19: {  	s7 =	sld [smem:$0x3F76]  }
0x1a: {  	s8 =	sadd.s32 $0xFFFFE003, lr  }
0x1b: {  	s9 =	sadd.s32 $0xFFFFFEF7, lr;
	s5 =	simm.s32 $0xFFFFFFFF;
	p2 =	slt.u32 s8, $0xFFFFF086  }
0x1c: {  	p1 =	slt.u32 s9, $0xF7A;
	s5 =	simm.s32 @!p2 $0x0  }
0x1d: {  	s5 =	simm.s32 @p1 $0x1;
	p0 =	seq.s32 s7, s2  }
0x1e: {  	s7 =	smul.u32 @!p0 $0xF7A, s2;
	p2 =	seq.s32 @!p0 s5, $0x0  }
0x1f: {  	s9 =	smul.u32 $0xF7A, s1;
	s8 =	simm.s32 @!p0 $0x1BF5;
	p2 =	por !p2, p0  }
0x20: {  	[sflag:s8] =	ssyncset.s32 @!p0 $0xFFFFF086;
	s6 =	sadd.s32 @!p0 s3, s7;
	s7 =	simm.s32 @!p0 $0x108  }
0x21: {  	s3 =	sadd.s32 s3, s9;
	s6 =	sadd.s32 @!p0 $0x88, s6;
	s7 =	simm.s32 @p2 $0x1082  }
0x22: {  	[simem:s7], [sflag:s8] =	dma.local @!p0 [hbm:s6], $0xF7A  }
0x23: {  	s9 =	sor.u32 $0xD0000000, s2;
	s6 =	simm.s32 $0x108;
	_ =	swait.ge @!p0 [sflag:s8], $0x0  }
0x24: {  	s3 =	sadd.s32 $0x88, s3;
	s6 =	simm.s32 @!p1 $0x1082;
	[sflag:s4] =	ssyncset.s32 $0xFFFFF086  }
0x25: {  	[simem:s6], [sflag:s4] =	dma.local [hbm:s3], $0xF7A  }
0x26: {  	[smem:$0x3F76] =	sst s1;
	(tag) =	ssettag s2;
	_ =	strace s9  }
0x27: {  	s1 =	sld [smem:$0x3F86]  }
0x28: {  	s2 =	sld [smem:$0x3F87]  }
0x29: {  	s4 =	sld [smem:$0x3F89]  }
0x2a: {  	p0 =	seq.s32 s5, $0x0;
	s5 =	sld [smem:$0x3F8A]  }
0x2b: {  	s6 =	sld [smem:$0x3F8B]  }
0x2c: {  	s7 =	sld [smem:$0x3F8C]  }
0x2d: {  	s3 =	simm.s32 $0x108;
	s8 =	sld [smem:$0x3F8D]  }
0x2e: {  	s3 =	simm.s32 @!p0 $0x1082;
	s9 =	sld [smem:$0x3F8E]  }
0x2f: {  	lr =	sadd.s32 s0, s3;
	s0 =	sld [smem:$0x3F85]  }
0x30: {  	s3 =	sld [smem:$0x3F88]  }
0x31: {  	[smem:$0x3F91] =	sst s10  }
0x32: {  	s10 =	sld [smem:$0x3F8F];
	_ =	sdelay $0x3  }
0x33: {  	p0 =	seq.s32 s10, $0x1;
	s10 =	sld [smem:$0x3F91];
	_ =	sdelay $0x3  }
0x34: {  	[smem:$0x3F91] =	sst s10  }
0x35: {  	s10 =	sld [smem:$0x3F90];
	_ =	sdelay $0x3  }
0x36: {  	p1 =	seq.s32 s10, $0x1;
	s10 =	sld [smem:$0x3F91];
	_ =	sdelay $0x3  }
0x37: {  	[smem:$0x3F91] =	sst s10  }
0x38: {  	s10 =	sld [smem:$0x3F92]  }
0x39: {  	_ = 	snop;
	(pc) =	sbr.ind lr, $3  }
0x3a: {  	_ = 	snop  }
0x3b: {  	_ = 	snop  }
0x3c: {  	p2 =	seq.s32 s10, $0x1;
	s10 =	sld [smem:$0x3F91]  }
0x3d: {  	_ =	shalt  }
0x3e: {  	_ =	shalt  }
0x3f: {  	_ =	shalt  }
0x40: {  	_ =	shalt  }
0x41: {  	_ =	shalt  }
0x42: {  	_ =	shalt  }
0x43: {  	_ =	shalt  }
0x44: {  	_ =	shalt  }
0x45: {  	_ =	shalt  }
0x46: {  	_ =	shalt  }
0x47: {  	_ =	shalt  }
0x48: {  	_ =	shalt  }
0x49: {  	_ =	shalt  }
0x4a: {  	_ =	shalt  }
0x4b: {  	_ =	shalt  }
0x4c: {  	_ =	shalt  }
0x4d: {  	_ =	shalt  }
0x4e: {  	_ =	shalt  }
0x4f: {  	_ =	shalt  }
0x50: {  	_ =	shalt  }
0x51: {  	_ =	shalt  }
0x52: {  	_ =	shalt  }
0x53: {  	_ =	shalt  }
0x54: {  	_ =	shalt  }
0x55: {  	_ =	shalt  }
0x56: {  	_ =	shalt  }
0x57: {  	_ =	shalt  }
0x58: {  	_ =	shalt  }
0x59: {  	_ =	shalt  }
0x5a: {  	_ =	shalt  }
0x5b: {  	_ =	shalt  }
0x5c: {  	_ =	shalt  }
0x5d: {  	_ =	shalt  }
0x5e: {  	_ =	shalt  }
0x5f: {  	_ =	shalt  }
0x60: {  	_ =	shalt  }
0x61: {  	_ =	shalt  }
0x62: {  	_ =	shalt  }
0x63: {  	_ =	shalt  }
0x64: {  	_ =	shalt  }
0x65: {  	_ =	shalt  }
0x66: {  	_ =	shalt  }
0x67: {  	_ =	shalt  }
0x68: {  	_ =	shalt  }
0x69: {  	_ =	shalt  }
0x6a: {  	_ =	shalt  }
0x6b: {  	_ =	shalt  }
0x6c: {  	_ =	shalt  }
0x6d: {  	_ =	shalt  }
0x6e: {  	_ =	shalt  }
0x6f: {  	_ =	shalt  }
0x70: {  	_ =	shalt  }
0x71: {  	_ =	shalt  }
0x72: {  	_ =	shalt  }
0x73: {  	_ =	shalt  }
0x74: {  	_ =	shalt  }
0x75: {  	_ =	shalt  }
0x76: {  	_ =	shalt  }
0x77: {  	_ =	shalt  }
0x78: {  	_ =	shalt  }
0x79: {  	_ =	shalt  }
0x7a: {  	_ =	shalt  }
0x7b: {  	_ =	shalt  }
0x7c: {  	_ =	shalt  }
0x7d: {  	_ =	shalt  }
0x7e: {  	_ =	shalt  }
0x7f: {  	_ =	shalt  }
0x80: {  	_ =	shalt  }
0x81: {  	_ =	shalt  }
0x82: {  	_ =	shalt  }
0x83: {  	_ =	shalt  }
0x84: {  	_ =	shalt  }
0x85: {  	_ =	shalt  }
0x86: {  	_ =	shalt  }
0x87: {  	_ =	shalt  }
.Lfunc_end0:
.L_simem_size_0:
called_computation.1_lowered:
.L_overlay_start_0:
0x88: {  	s2 =	sld [smem:$0x3FD9]  }
0x89: {  	s3 =	sld [smem:$0x3FFE];
	_ =	sdelay $0x1  }
0x8a: {  	s1 =	srdreg.scid  }
0x8b: {  	s0 =	sand.u32 $0x1, s1  }
0x8c: {  	s15 =	sshll.u32 s0, $0xA;
	s2 =	sadd.s32 s3, s2  }
0x8d: {  	s2 =	sadd.s32 s2, s15  }
0x8e: {  	[smem:$0x3F9D] =	sst s2  }
0x8f: {  	_ = 	snop  }
0x90: {  	s2 =	sld [smem:$0x3FD0];
	_ =	sdelay $0x2  }
0x91: {  	s16 =	simm.s32 $0xB;
	s4 =	simm.s32 $0x10  }
0x92: {  	[smem:s4], [sflag:s16] =	dma.local [hbm:s2], $0x1  }
0x93: {  	_ =	swait.eq [sflag:s16], $0x1  }
0x94: {  	[sflag:s16] =	ssyncset.done $0x0  }
0x95: {  	[sflag:s16] =	ssyncadd.s32 $0xFFFFFFFF  }
0x96: {  	s17 =	sld [smem:$0x10];
	(tm) =	ssettm $0x1  }
0x97: {  	s18 =	sld [smem:$0x3FFB];
	_ =	sdelay $0x3  }
0x98: {  	_ =	strace s18  }
0x99: {  	s2 =	sld [smem:$0x3FFC];
	_ =	sdelay $0x3  }
0x9a: {  	_ =	strace s2  }
0x9b: {  	s2 =	sld [smem:$0x3FFD];
	_ =	sdelay $0x3  }
0x9c: {  	_ =	strace s2  }
0x9d: {  	_ =	strace $0x8FFFFFFF  }
0x9e: {  	s19 =	sld [smem:$0x3FDB];
	_ =	sdelay $0x1  }
0x9f: {  	s20 =	simm.s32 $_scs_section_size  }
0xa0: {  	s5 =	simm.s32 $_size__tile_overlayer_lowered;
	s6 =	simm.s32 $_tile_overlayer_lowered  }
0xa1: {  	s7 =	simm.s32 $0x1BFF;
	s21 =	sshll.u32 s6, $0x1;
	s4 =	sadd.s32 s20, s19  }
0xa2: {  	s22 =	simm.s32 $0x0;
	s5 =	sshll.u32 s5, $0x1;
	s6 =	sadd.s32 s21, s4  }
0xa3: {  	[timem:s22], [sflag:s7] =	dma.local [hbm:s6], s5  }
0xa4: {  	_ =	swait.ge [sflag:s7], s5  }
0xa5: {  	s5 =	ssub.s32 $0x0, s5;
	[sflag:s7] =	ssyncset.done $0x0  }
0xa6: {  	[sflag:s7] =	ssyncadd.s32 s5;
	_ =	sdelay $0x1  }
0xa7: {  	s23 =	simm.s32 $0x1B8B  }
0xa8: {  	_ =	swait.ge [sflag:s23], $0x1  }
0xa9: {  	[sflag:s23] =	ssyncset.done $0x0  }
0xaa: {  	[sflag:s23] =	ssyncadd.s32 $0xFFFFFFFF  }
0xab: {  	s5 =	sld [smem:$0x0]  }
0xac: {  	s6 =	sand.u32 $0xFFFFFFFE, s1  }
0xad: {  	p0 =	sne.s32 s1, s6  }
0xae: {  	s6 =	sshll.u32 @p0 s6, $0xE  }
0xaf: {  	s6 =	sadd.s32 @p0 $0x11B8D, s6;
	s7 =	sshll.u32 @p0 s5, $0x11  }
0xb0: {  	s6 =	sor.u32 @p0 s7, s6  }
0xb1: {  	[sflag:s6] =	ssyncadd.remote.s32 @p0 $0x1;
	_ =	sdelay $0x1  }
0xb2: {  	s6 =	simm.s32 @p0 $0x1B8D  }
0xb3: {  	_ =	swait.eq @p0 [sflag:s6], $0x1  }
0xb4: {  	[sflag:s6] =	ssyncadd.s32 @p0 $0xFFFFFFFF  }
0xb5: {  	s7 =	sshll.u32 @!p0 s1, $0xE  }
0xb6: {  	s7 =	sor.u32 @!p0 $0x4000, s7;
	s6 =	simm.s32 @!p0 $0x1B8D  }
0xb7: {  	s5 =	sshll.u32 @!p0 s5, $0x11;
	s7 =	sadd.s32 @!p0 $0x11B8D, s7;
	_ =	swait.eq @!p0 [sflag:s6], $0x1  }
0xb8: {  	s5 =	sor.u32 @!p0 s5, s7;
	[sflag:s6] =	ssyncadd.s32 @!p0 $0xFFFFFFFF  }
0xb9: {  	s25 =	simm.s32 $0x1B8E;
	s24 =	sld [smem:$0x3FFE];
	[sflag:s5] =	ssyncadd.remote.s32 @!p0 $0x1  }
0xba: {  	s26 =	simm.s32 $execute0_lowered;
	[smem:$0x3FD2] =	sst s25  }
0xbb: {  	s6 =	sshll.u32 s26, $0x1;
	_ =	strace $0x80000049;
	[dreg:$0x1] =	wrdreg $0xFFFFFFFF  }
0xbc: {  	s28 =	simm.s32 $_size_execute0_lowered;
	s4 =	sadd.s32 s4, s6;
	[dreg:$0x0] =	wrdreg $0x0  }
0xbd: {  	s6 =	sshll.u32 s28, $0x1;
	[dreg:$0x2] =	wrdreg s4  }
0xbe: {  	[dreg:$0x3] =	wrdreg s6  }
0xbf: {  	[dreg:$0x4] =	wrdreg $0xC0  }
0xc0: {  	_ =	task [dreg:s22], $0x5FFFF  }
0xc1: {  	[dreg:$0x1] =	wrdreg $0xFFFFFFFF  }
0xc2: {  	[dreg:$0x0] =	wrdreg $0x60  }
0xc3: {  	[dreg:$0x2] =	wrdreg s24  }
0xc4: {  	[dreg:$0x3] =	wrdreg s17  }
0xc5: {  	[dreg:$0x4] =	wrdreg $0xA  }
0xc6: {  	_ =	task.clear_ibuf [dreg:s22], $0x5FFFF;
	_ =	strace $0x90000049  }
0xc7: {  	s29 =	simm.s32 $0xA;
	_ =	strace $0x8000004B  }
0xc8: {  	_ =	swait.ge [sflag:s29], $0x1  }
0xc9: {  	[sflag:s29] =	ssyncadd.s32 $0xFFFFFFFF  }
0xca: {  	_ =	strace $0x9000004B  }
0xcb: {  	_ =	sfence  }
0xcc: {  	s30 =	sld [smem:$0x0];
	_ =	sdelay $0x2  }
0xcd: {  	s31 =	sshll.u32 s1, $0xD;
	s1 =	sshrl.u32 s1, $0x2  }
0xce: {  	s4 =	sand.u32 $0x4000, s31;
	s1 =	sadd.s32 s1, s30  }
0xcf: {  	s0 =	sor.u32 s4, s0;
	s1 =	sshll.u32 s1, $0x11  }
0xd0: {  	s0 =	sor.u32 s1, s0  }
0xd1: {  	s0 =	sadd.s32 $0x8F2B, s0  }
0xd2: {  	[sflag:s0] =	ssyncadd.remote.s32 $0x1  }
0xd3: {  	_ =	sfence.sel $0xFFFF  }
0xd4: {  	[dreg:$0x0] =	wrdreg $0xFFFFFFFF;
	(pc) =	sbr.abs _section_cstart, $3  }
0xd5: {  	[dreg:$0x1] =	wrdreg $0xFFFFFFFF  }
0xd6: {  	_ =	task.clear_ibuf [dreg:s22], $0x2FFFF;
	_ =	strace $0x9FFFFFFF  }
0xd7: {  	(tm) =	ssettm $0x7FFFFFFF  }
tec
execute0_lowered:
.L_overlay_start_1:
0x0: {  	(tag) =	ssettag $0x1  }
0x1: {  	s1 =	srdreg.scid  }
0x2: {  	s0 =	stileid.u32;
	s5 =	rddreg [dreg:$0x0]  }
0x3: {  	s9 =	rddreg [dreg:$0x1];
	s15 =	simm.s32 $0x400;
	s16 =	simm.s32 $0x200  }
0x4: {  	s17 =	simm.s32 $0x600;
	s18 =	simm.s32 $0x680;
	s4 =	sand.u32 $0x1, s1  }
0x5: {  	s19 =	simm.s32 $0x700;
	s20 =	simm.s32 $0x780;
	s1 =	sor.u32 s4, s0  }
0x6: {  	s21 =	simm.s32 $0x3780;
	p1 =	seq.s32 s4, $0x1;
	p0 =	seq.s32 s1, $0x0  }
0x7: {  	s22 =	simm.s32 $0x4780;
	s10 =	sshll.u32 s4, $0x6;
	p0 =	por !p0, !p1  }
0x8: {  	s26 =	smul.u32 $0x18000, s4;
	s1 =	simm.s32 $0x1;
	p0 =	por !p0, !p0  }
0x9: {  	s13 =	sshll.u32 s4, $0xF;
	s4 =	ssub.s32 $0x2, s4;
	s1 =	simm.s32 @!p0 $0x0  }
0xa: {  	s23 =	simm.s32 $0x0;
	s31 =	sshrl.u32 s4, $0x1;
	s2 =	ssub.s32 s0, s1  }
0xb: {  	s14 =	ssub.s32 s4, s31;
	s1 =	rddreg [dreg:$0x2];
	s3 =	sshll.u32 s2, $0x7  }
0xc: {  	s6 =	sshrl.u32 s2, $0x3;
	s2 =	simm.s32 $0x0;
	s7 =	sand.u32 $0x380, s3  }
0xd: {  	s25 =	sshll.u32 s6, $0xC;
	[smem:$0x7FF] =	sst s2;
	s3 =	simm.s32 $0x1  }
0xe: {  	s11 =	sshll.u32 s6, $0xA;
	s12 =	smul.u32 $0x30000, s6;
	s6 =	sshll.u32 s6, $0x10  }
0xf: {  	s8 =	sor.u32 s7, s25;
	_ =	strace $0x8000004A;
	s10 =	sor.u32 s10, s11  }
0x10: {  	s6 =	sor.u32 s13, s6;
	s13 =	smax.u32 s14, $0x1;
	s14 =	simm.s32 $0x80  }
0x11: {  	s8 =	sshrl.u32 s8, $0x3;
	s10 =	sor.u32 s7, s10;
	s11 =	sadd.s32 s26, s12  }
0x12: {  	s6 =	sor.u32 s7, s6;
	s8 =	sadd.s32 s8, s5;
	s10 =	sshrl.u32 s10, $0x3  }
0x13: {  	s11 =	sor.u32 s7, s11;
	s6 =	sshrl.u32 s6, $0x3;
	s28 =	sadd.s32 s10, s5  }
0x14: {  	s29 =	sshrl.u32 s11, $0x3;
	s30 =	sadd.s32 s6, s5;
	s4 =	sadd.s32 $0x9200, s8  }
0x15: {  	s6 =	sadd.s32 $0x8A00, s8;
	s9 =	sadd.s32 s9, s10;
	s11 =	sadd.s32 s29, s5  }
0x16: {  	v0 =	vimm.f32 $-1.000000020e+30;
	v3 =	vlaneseq.u32;
	s5 =	sadd.s32 $0x8E00, s8;
	s7 =	sadd.s32 $0x49800, s28;
	s8 =	sadd.s32 $0x49600, s28  }
0x17: {  	v1 =	vimm.s32 $0x0;
	v2 =	vimm.f32 $0.0e+00;
	v3 =	vmul.u32 $0x40, v3;
	s12 =	sadd.s32 $0x55A00, s30;
	s10 =	sadd.s32 $0x49A00, s11;
	s11 =	sadd.s32 $0x59A00, s30  }
.LBB2_1:
0x18: {  	[tilespmem:s2], [sflag:$0x1] =	stream.strided.gather [hbm4b:s4+s14], $0x200, s15, s14, $0x38;
	[tilespmem:$0x5780] =	vst v63  }
0x19: {  	_ =	swait.ge [sflag:s3], $0x200  }
0x1a: {  	[sflag:s3] =	ssyncset.done $0x0  }
0x1b: {  	[sflag:s3] =	ssyncadd.s32 $0xFFFFFE00  }
0x1c: {  	[tilespmem:s16], [sflag:$0x1] =	stream.strided.gather [hbm4b:s5+s14], $0x200, s15, s14, $0x38;
	[tilespmem:$0x5780] =	vst v63  }
0x1d: {  	_ =	swait.ge [sflag:s3], $0x200  }
0x1e: {  	[sflag:s3] =	ssyncset.done $0x0  }
0x1f: {  	[sflag:s3] =	ssyncadd.s32 $0xFFFFFE00  }
0x20: {  	[tilespmem:s15], [sflag:$0x1] =	stream.strided.gather [hbm4b:s6+s14], $0x200, s15, s14, $0x38;
	[tilespmem:$0x5780] =	vst v63  }
0x21: {  	_ =	swait.ge [sflag:s3], $0x200  }
0x22: {  	[sflag:s3] =	ssyncset.done $0x0  }
0x23: {  	[sflag:s3] =	ssyncadd.s32 $0xFFFFFE00  }
0x24: {  	[tilespmem:s17], [sflag:$0x1] =	stream.linear.gather [hbm4b:s7+s2], $0x40, $0x38;
	[tilespmem:$0x5780] =	vst v63  }
0x25: {  	_ =	swait.ge [sflag:s3], $0x40  }
0x26: {  	[sflag:s3] =	ssyncset.done $0x0  }
0x27: {  	[sflag:s3] =	ssyncadd.s32 $0xFFFFFFC0  }
0x28: {  	[tilespmem:s18], [sflag:$0x1] =	stream.linear.gather [hbm4b:s8+s2], $0x40, $0x38;
	[tilespmem:$0x5780] =	vst v63  }
0x29: {  	_ =	swait.ge [sflag:s3], $0x40  }
0x2a: {  	[sflag:s3] =	ssyncset.done $0x0  }
0x2b: {  	[sflag:s3] =	ssyncadd.s32 $0xFFFFFFC0  }
0x2c: {  	[tilespmem:s19], [sflag:$0x1] =	stream.linear.gather [hbm4b:s9+s2], $0x40, $0x38;
	[tilespmem:$0x5780] =	vst v63  }
0x2d: {  	_ =	swait.ge [sflag:s3], $0x40  }
0x2e: {  	[sflag:s3] =	ssyncset.done $0x0  }
0x2f: {  	s24 =	simm.s32 $0x40;
	s25 =	simm.s32 $0x0;
	[sflag:s3] =	ssyncadd.s32 $0xFFFFFFC0  }
.LBB2_2:
0x30: {  	p0 =	sne.s32 s24, $0x3FC0;
	[tilespmem:s25+$0x3780] =	vst v0;
	s26 =	smov.u32 s24;
	s24 =	sadd.s32 $0x40, s24  }
.Ltmp0:
0x31: {  	[tilespmem:s25+$0x4780] =	vst v1;
	(pc) =	sbr.rel @p0 .LBB2_2-.Ltmp0, $2  }
0x32: {  	_ =	sdelay $0x2  }
0x33: {  	s25 =	sshra.s32 s26, $0x2  }
0x34: {  	[tilespmem:s25+$0x3780] =	vst v0  }
0x35: {  	s24 =	simm.s32 $0x0;
	[tilespmem:s25+$0x4780] =	vst v1;
	s25 =	simm.s32 $0x40;
	s26 =	simm.s32 $0x0  }
.LBB2_4:
0x36: {  	p0 =	sne.s32 s25, $0xBFC0;
	[tilespmem:s26+$0x780] =	vst v2;
	s26 =	smov.u32 s25;
	s25 =	sadd.s32 $0x40, s25  }
.Ltmp1:
0x37: {  	(pc) =	sbr.rel @p0 .LBB2_4-.Ltmp1, $2  }
0x38: {  	_ =	sdelay $0x2  }
0x39: {  	s26 =	sshra.s32 s26, $0x2  }
0x3a: {  	[tilespmem:s26+$0x780] =	vst v2  }
.LBB2_6:
0x3b: {  	s25 =	sshll.u32 s24, $0x4  }
0x3c: {  	v4 =	vld [tilespmem:s25+$0x600];
	v6 =	vmov s25  }
0x3d: {  	v5 =	vld [tilespmem:s25+$0x680];
	v7 =	vshll.u32 v6, $0x6  }
0x3e: {  	v8 =	vimm.s32 $0x0;
	v6 =	vld [tilespmem:s25+$0x700];
	s25 =	simm.s32 $0x0;
	v7 =	vor.u32 v3, v7  }
.LBB2_7:
0x3f: {  	v9 =	vmov s25;
	_ =	sdelay $0x4  }
0x40: {  	v10 =	vld.idx.msk [tilespmem:v9+s2+$0x0], $0xffff  }
0x41: {  	v11 =	vld.idx.msk [tilespmem:v9+s16+$0x0], $0xffff;
	_ =	sdelay $0x1  }
0x42: {  	v12 =	vld.idx.msk [tilespmem:v9+s15+$0x0], $0xffff;
	_ =	sdelay $0x2  }
0x43: {  	v10 =	vsub.f32 v10, v4;
	v11 =	vsub.f32 v11, v5;
	_ =	sdelay $0x1  }
0x44: {  	v12 =	vsub.f32 v12, v6;
	v13 =	vmul.f32 v10, v10;
	v14 =	vmul.f32 v11, v11;
	_ =	sdelay $0x1  }
0x45: {  	v37 =	vmul.f32 v12, v12;
	v13 =	vadd.f32 v14, v13;
	_ =	sdelay $0x1  }
0x46: {  	v13 =	vadd.f32 v37, v13;
	_ =	sdelay $0x1  }
0x47: {  	vm1 =	vlt.s32 v8, $0x40;
	v38 =	vadd.s32 v7, v8;
	vm0 =	vle.f32 v13, $1.599999960e-01  }
0x48: {  	v39 =	vmul.u32 $0x3, v38;
	vm0 =	vmand vm1, vm0;
	_ =	sdelay $0x1  }
0x49: {  	v15 =	vadd.s32 $0x1, v39  }
0x4a: {  	v16 =	vadd.s32 $0x2, v39;
	_ =	sdelay $0x1  }
0x4b: {  	s26 =	sadd.s32 $0x1, s25  }
0x4c: {  	[tilespmem:v39+s20+$0x0] =	vst.idx.msk vm0, v10;
	v10 =	vmov s26  }
0x4d: {  	[tilespmem:v15+s20+$0x0] =	vst.idx.msk vm0, v11  }
0x4e: {  	[tilespmem:v16+s20+$0x0] =	vst.idx.msk vm0, v12  }
0x4f: {  	[tilespmem:v38+s21+$0x0] =	vst.idx.msk vm0, v2  }
0x50: {  	[tilespmem:v38+s22+$0x0] =	vst.idx.msk vm0, v9  }
0x51: {  	v9 =	vld.idx.msk [tilespmem:v10+s2+$0x0], $0xffff  }
0x52: {  	v11 =	vld.idx.msk [tilespmem:v10+s16+$0x0], $0xffff;
	_ =	sdelay $0x1  }
0x53: {  	v12 =	vld.idx.msk [tilespmem:v10+s15+$0x0], $0xffff;
	_ =	sdelay $0x2  }
0x54: {  	v9 =	vsub.f32 v9, v4;
	v11 =	vsub.f32 v11, v5;
	_ =	sdelay $0x1  }
0x55: {  	v12 =	vsub.f32 v12, v6;
	v40 =	vmul.f32 v9, v9;
	v41 =	vmul.f32 v11, v11;
	_ =	sdelay $0x1  }
0x56: {  	v42 =	vmul.f32 v12, v12;
	v13 =	vadd.f32 v41, v40;
	_ =	sdelay $0x1  }
0x57: {  	v43 =	vsel vm0, $0x1, v1;
	v13 =	vadd.f32 v42, v13  }
0x58: {  	v8 =	vadd.s32 v43, v8  }
0x59: {  	vm11 =	vlt.s32 v8, $0x40;
	v44 =	vadd.s32 v7, v8;
	vm10 =	vle.f32 v13, $1.599999960e-01  }
0x5a: {  	v45 =	vmul.u32 $0x3, v44;
	vm0 =	vmand vm11, vm10;
	_ =	sdelay $0x1  }
0x5b: {  	v46 =	vadd.s32 $0x1, v45  }
0x5c: {  	v47 =	vadd.s32 $0x2, v45;
	_ =	sdelay $0x1  }
0x5d: {  	s30 =	sadd.s32 $0x2, s25  }
0x5e: {  	[tilespmem:v45+s20+$0x0] =	vst.idx.msk vm0, v9;
	v9 =	vmov s30  }
0x5f: {  	[tilespmem:v46+s20+$0x0] =	vst.idx.msk vm0, v11  }
0x60: {  	[tilespmem:v47+s20+$0x0] =	vst.idx.msk vm0, v12  }
0x61: {  	[tilespmem:v44+s21+$0x0] =	vst.idx.msk vm0, v2  }
0x62: {  	[tilespmem:v44+s22+$0x0] =	vst.idx.msk vm0, v10  }
0x63: {  	v10 =	vld.idx.msk [tilespmem:v9+s2+$0x0], $0xffff  }
0x64: {  	v11 =	vld.idx.msk [tilespmem:v9+s16+$0x0], $0xffff;
	_ =	sdelay $0x1  }
0x65: {  	v12 =	vld.idx.msk [tilespmem:v9+s15+$0x0], $0xffff;
	_ =	sdelay $0x2  }
0x66: {  	v10 =	vsub.f32 v10, v4;
	v11 =	vsub.f32 v11, v5;
	_ =	sdelay $0x1  }
0x67: {  	v12 =	vsub.f32 v12, v6;
	v48 =	vmul.f32 v10, v10;
	v49 =	vmul.f32 v11, v11;
	_ =	sdelay $0x1  }
0x68: {  	v50 =	vmul.f32 v12, v12;
	v13 =	vadd.f32 v49, v48;
	_ =	sdelay $0x1  }
0x69: {  	v51 =	vsel vm0, $0x1, v1;
	v13 =	vadd.f32 v50, v13  }
0x6a: {  	v8 =	vadd.s32 v51, v8  }
0x6b: {  	vm13 =	vlt.s32 v8, $0x40;
	v52 =	vadd.s32 v7, v8;
	vm12 =	vle.f32 v13, $1.599999960e-01  }
0x6c: {  	v53 =	vmul.u32 $0x3, v52;
	vm0 =	vmand vm13, vm12;
	_ =	sdelay $0x1  }
0x6d: {  	v54 =	vadd.s32 $0x1, v53  }
0x6e: {  	v55 =	vadd.s32 $0x2, v53;
	_ =	sdelay $0x1  }
0x6f: {  	s31 =	sadd.s32 $0x3, s25  }
0x70: {  	[tilespmem:v53+s20+$0x0] =	vst.idx.msk vm0, v10;
	v10 =	vmov s31  }
0x71: {  	[tilespmem:v54+s20+$0x0] =	vst.idx.msk vm0, v11  }
0x72: {  	[tilespmem:v55+s20+$0x0] =	vst.idx.msk vm0, v12  }
0x73: {  	[tilespmem:v52+s21+$0x0] =	vst.idx.msk vm0, v2  }
0x74: {  	[tilespmem:v52+s22+$0x0] =	vst.idx.msk vm0, v9  }
0x75: {  	v9 =	vld.idx.msk [tilespmem:v10+s2+$0x0], $0xffff  }
0x76: {  	v11 =	vld.idx.msk [tilespmem:v10+s16+$0x0], $0xffff;
	_ =	sdelay $0x1  }
0x77: {  	v12 =	vld.idx.msk [tilespmem:v10+s15+$0x0], $0xffff;
	_ =	sdelay $0x2  }
0x78: {  	v9 =	vsub.f32 v9, v4;
	v11 =	vsub.f32 v11, v5;
	_ =	sdelay $0x1  }
0x79: {  	v12 =	vsub.f32 v12, v6;
	v56 =	vmul.f32 v9, v9;
	v57 =	vmul.f32 v11, v11;
	_ =	sdelay $0x1  }
0x7a: {  	v58 =	vmul.f32 v12, v12;
	v13 =	vadd.f32 v57, v56;
	_ =	sdelay $0x1  }
0x7b: {  	v59 =	vsel vm0, $0x1, v1;
	v13 =	vadd.f32 v58, v13  }
0x7c: {  	v8 =	vadd.s32 v59, v8  }
0x7d: {  	vm15 =	vlt.s32 v8, $0x40;
	v60 =	vadd.s32 v7, v8;
	vm14 =	vle.f32 v13, $1.599999960e-01  }
0x7e: {  	v61 =	vmul.u32 $0x3, v60;
	vm0 =	vmand vm15, vm14;
	_ =	sdelay $0x1  }
0x7f: {  	v62 =	vadd.s32 $0x1, v61  }
0x80: {  	v63 =	vadd.s32 $0x2, v61;
	_ =	sdelay $0x1  }
0x81: {  	p0 =	sne.s32 s25, $0x1FC  }
.Ltmp2:
0x82: {  	[tilespmem:v61+s20+$0x0] =	vst.idx.msk vm0, v9;
	(pc) =	sbr.rel @p0 .LBB2_7-.Ltmp2, $4  }
0x83: {  	[tilespmem:v62+s20+$0x0] =	vst.idx.msk vm0, v11  }
0x84: {  	[tilespmem:v63+s20+$0x0] =	vst.idx.msk vm0, v12  }
0x85: {  	v9 =	vsel vm0, $0x1, v1;
	[tilespmem:v60+s21+$0x0] =	vst.idx.msk vm0, v2  }
0x86: {  	s25 =	sadd.s32 $0x4, s25;
	v8 =	vadd.s32 v9, v8;
	[tilespmem:v60+s22+$0x0] =	vst.idx.msk vm0, v10  }
0x87: {  	s24 =	sadd.s32 $0x1, s24  }
0x88: {  	p0 =	sne.s32 s24, $0x4  }
.Ltmp3:
0x89: {  	_ = 	snop;
	(pc) =	sbr.rel @p0 .LBB2_6-.Ltmp3, $1  }
0x8a: {  	_ =	sdelay $0x3  }
0x8b: {  	[hbm4b:s10+s14] =	stream.strided.scatter [tilespmem:s20], [sflag:$0x1], $0x3000, s15, s14, $0x38;
	[tilespmem:$0x5780] =	vst v63  }
0x8c: {  	_ =	swait.ge [sflag:s3], $0x3000  }
0x8d: {  	[sflag:s3] =	ssyncset.done $0x0  }
0x8e: {  	[sflag:s3] =	ssyncadd.s32 $0xFFFFD000  }
0x8f: {  	[hbm4b:s11+s14] =	stream.strided.scatter [tilespmem:s21], [sflag:$0x1], $0x1000, s15, s14, $0x38;
	[tilespmem:$0x5780] =	vst v63  }
0x90: {  	s23 =	sadd.s32 $0x1, s23;
	_ =	swait.ge [sflag:s3], $0x1000  }
0x91: {  	p0 =	sne.s32 s23, s13;
	[sflag:s3] =	ssyncset.done $0x0  }
.Ltmp4:
0x92: {  	[sflag:s3] =	ssyncadd.s32 $0xFFFFF000;
	(pc) =	sbr.rel @p0 .LBB2_1-.Ltmp4, $4  }
0x93: {  	[hbm4b:s12+s14] =	stream.strided.scatter [tilespmem:s22], [sflag:$0x1], $0x1000, s15, s14, $0x38;
	[tilespmem:$0x5780] =	vst v63  }
0x94: {  	_ =	swait.ge [sflag:s3], $0x1000  }
0x95: {  	[sflag:s3] =	ssyncset.done $0x0  }
0x96: {  	[sflag:s3] =	ssyncadd.s32 $0xFFFFF000  }
0x97: {  	_ =	sfence.sel $0x180000  }
0x98: {  	[bflag:$0x0] =	sbarrier.arrive $0xFFFF  }
0x99: {  	p0 =	sne.s32 s0, $0x0;
	_ =	strace $0x9000004A  }
0x9a: {  	s0 =	sadd.s32 @!p0 $0x100000, s1;
	[bflag:$0x2] =	sbarrier.arrive $0xFFFF  }
0x9b: {  	[sflag:s0] =	ssyncadd.tile.s32 @!p0 $0x1;
	_ =	shalt  }
.Lfunc_end2:
_tile_overlayer_lowered:
.L_overlay_start_2:
0x9c: {  	(tag) =	ssettag $0x2  }
0x9d: {  	s0 =	rddreg [dreg:$0x0];
	s2 =	stileid.u32  }
0x9e: {  	s1 =	rddreg [dreg:$0x1];
	p0 =	sne.s32 s2, $0x0  }
0x9f: {  	s3 =	rddreg [dreg:$0x2];
	[bflag:$0x3] =	sbarrier.arrive $0xFFFF;
	s2 =	simm.s32 @!p0 $0x1C01  }
0xa0: {  	[timem:s3], [sflag:s2] =	dma.local @!p0 [hbm:s0], s1  }
0xa1: {  	s0 =	simm.s32 @!p0 $0x1  }
0xa2: {  	_ =	swait.ge @!p0 [sflag:s0], s1  }
0xa3: {  	s1 =	ssub.s32 @!p0 $0x0, s1;
	[sflag:s0] =	ssyncset.done @!p0 $0x0  }
0xa4: {  	[sflag:s0] =	ssyncadd.s32 @!p0 s1  }
0xa5: {  	[bflag:$0x3] =	sbarrier.arrive $0xFFFF  }
0xa6: {  	_ =	shalt  }

// kernel: kernel.9.cloned.1.call-start
scs
__scs_entry_jumppad:
0x0: {  	(pc) =	sbr.rel $0x88, $3  }
0x1: {  	(tag) =	ssettag $0x0;
	lr =	simm.s32 $0x1  }
0x2: {  	[smem:$0x3F76] =	sst lr;
	_ =	strace $0xD0000000  }
0x3: {  	_ = 	snop  }
0x4: {  	_ = 	snop  }
0x5: {  	_ = 	snop  }
0x6: {  	_ = 	snop  }
0x7: {  	_ = 	snop  }
__scs_overlays_trampoline_lowered:
0x8: {  	[smem:$0x3F85] =	sst s0  }
0x9: {  	[smem:$0x3F86] =	sst s1  }
0xa: {  	[smem:$0x3F87] =	sst s2  }
0xb: {  	[smem:$0x3F88] =	sst s3  }
0xc: {  	[smem:$0x3F89] =	sst s4  }
0xd: {  	[smem:$0x3F8A] =	sst s5  }
0xe: {  	[smem:$0x3F8B] =	sst s6  }
0xf: {  	[smem:$0x3F8C] =	sst s7  }
0x10: {  	[smem:$0x3F8D] =	sst s8  }
0x11: {  	[smem:$0x3F8E] =	sst s9;
	s0 =	simm.s32 @!p0 $0x0  }
0x12: {  	s1 =	sld [smem:$0x3F74];
	s0 =	simm.s32 @p0 $0x1  }
0x13: {  	[smem:$0x3F8F] =	sst s0;
	s0 =	simm.s32 @!p1 $0x0  }
0x14: {  	s2 =	sld [smem:$0x3F73];
	s0 =	simm.s32 @p1 $0x1  }
0x15: {  	[smem:$0x3F90] =	sst s0;
	s0 =	simm.s32 @!p2 $0x0  }
0x16: {  	s3 =	sld [smem:$0x3FDB];
	s0 =	simm.s32 @p2 $0x1  }
0x17: {  	s4 =	simm.s32 $0x1BF5;
	[smem:$0x3F92] =	sst s0  }
0x18: {  	s0 =	sld [smem:$0x3F75];
	_ =	swait.ge [sflag:s4], $0x0  }
0x19: {  	s7 =	sld [smem:$0x3F76]  }
0x1a: {  	s8 =	sadd.s32 $0xFFFFE003, lr  }
0x1b: {  	s9 =	sadd.s32 $0xFFFFFEF7, lr;
	s5 =	simm.s32 $0xFFFFFFFF;
	p2 =	slt.u32 s8, $0xFFFFF086  }
0x1c: {  	p1 =	slt.u32 s9, $0xF7A;
	s5 =	simm.s32 @!p2 $0x0  }
0x1d: {  	s5 =	simm.s32 @p1 $0x1;
	p0 =	seq.s32 s7, s2  }
0x1e: {  	s7 =	smul.u32 @!p0 $0xF7A, s2;
	p2 =	seq.s32 @!p0 s5, $0x0  }
0x1f: {  	s9 =	smul.u32 $0xF7A, s1;
	s8 =	simm.s32 @!p0 $0x1BF5;
	p2 =	por !p2, p0  }
0x20: {  	[sflag:s8] =	ssyncset.s32 @!p0 $0xFFFFF086;
	s6 =	sadd.s32 @!p0 s3, s7;
	s7 =	simm.s32 @!p0 $0x108  }
0x21: {  	s3 =	sadd.s32 s3, s9;
	s6 =	sadd.s32 @!p0 $0x88, s6;
	s7 =	simm.s32 @p2 $0x1082  }
0x22: {  	[simem:s7], [sflag:s8] =	dma.local @!p0 [hbm:s6], $0xF7A  }
0x23: {  	s9 =	sor.u32 $0xD0000000, s2;
	s6 =	simm.s32 $0x108;
	_ =	swait.ge @!p0 [sflag:s8], $0x0  }
0x24: {  	s3 =	sadd.s32 $0x88, s3;
	s6 =	simm.s32 @!p1 $0x1082;
	[sflag:s4] =	ssyncset.s32 $0xFFFFF086  }
0x25: {  	[simem:s6], [sflag:s4] =	dma.local [hbm:s3], $0xF7A  }
0x26: {  	[smem:$0x3F76] =	sst s1;
	(tag) =	ssettag s2;
	_ =	strace s9  }
0x27: {  	s1 =	sld [smem:$0x3F86]  }
0x28: {  	s2 =	sld [smem:$0x3F87]  }
0x29: {  	s4 =	sld [smem:$0x3F89]  }
0x2a: {  	p0 =	seq.s32 s5, $0x0;
	s5 =	sld [smem:$0x3F8A]  }
0x2b: {  	s6 =	sld [smem:$0x3F8B]  }
0x2c: {  	s7 =	sld [smem:$0x3F8C]  }
0x2d: {  	s3 =	simm.s32 $0x108;
	s8 =	sld [smem:$0x3F8D]  }
0x2e: {  	s3 =	simm.s32 @!p0 $0x1082;
	s9 =	sld [smem:$0x3F8E]  }
0x2f: {  	lr =	sadd.s32 s0, s3;
	s0 =	sld [smem:$0x3F85]  }
0x30: {  	s3 =	sld [smem:$0x3F88]  }
0x31: {  	[smem:$0x3F91] =	sst s10  }
0x32: {  	s10 =	sld [smem:$0x3F8F];
	_ =	sdelay $0x3  }
0x33: {  	p0 =	seq.s32 s10, $0x1;
	s10 =	sld [smem:$0x3F91];
	_ =	sdelay $0x3  }
0x34: {  	[smem:$0x3F91] =	sst s10  }
0x35: {  	s10 =	sld [smem:$0x3F90];
	_ =	sdelay $0x3  }
0x36: {  	p1 =	seq.s32 s10, $0x1;
	s10 =	sld [smem:$0x3F91];
	_ =	sdelay $0x3  }
0x37: {  	[smem:$0x3F91] =	sst s10  }
0x38: {  	s10 =	sld [smem:$0x3F92]  }
0x39: {  	_ = 	snop;
	(pc) =	sbr.ind lr, $3  }
0x3a: {  	_ = 	snop  }
0x3b: {  	_ = 	snop  }
0x3c: {  	p2 =	seq.s32 s10, $0x1;
	s10 =	sld [smem:$0x3F91]  }
0x3d: {  	_ =	shalt  }
0x3e: {  	_ =	shalt  }
0x3f: {  	_ =	shalt  }
0x40: {  	_ =	shalt  }
0x41: {  	_ =	shalt  }
0x42: {  	_ =	shalt  }
0x43: {  	_ =	shalt  }
0x44: {  	_ =	shalt  }
0x45: {  	_ =	shalt  }
0x46: {  	_ =	shalt  }
0x47: {  	_ =	shalt  }
0x48: {  	_ =	shalt  }
0x49: {  	_ =	shalt  }
0x4a: {  	_ =	shalt  }
0x4b: {  	_ =	shalt  }
0x4c: {  	_ =	shalt  }
0x4d: {  	_ =	shalt  }
0x4e: {  	_ =	shalt  }
0x4f: {  	_ =	shalt  }
0x50: {  	_ =	shalt  }
0x51: {  	_ =	shalt  }
0x52: {  	_ =	shalt  }
0x53: {  	_ =	shalt  }
0x54: {  	_ =	shalt  }
0x55: {  	_ =	shalt  }
0x56: {  	_ =	shalt  }
0x57: {  	_ =	shalt  }
0x58: {  	_ =	shalt  }
0x59: {  	_ =	shalt  }
0x5a: {  	_ =	shalt  }
0x5b: {  	_ =	shalt  }
0x5c: {  	_ =	shalt  }
0x5d: {  	_ =	shalt  }
0x5e: {  	_ =	shalt  }
0x5f: {  	_ =	shalt  }
0x60: {  	_ =	shalt  }
0x61: {  	_ =	shalt  }
0x62: {  	_ =	shalt  }
0x63: {  	_ =	shalt  }
0x64: {  	_ =	shalt  }
0x65: {  	_ =	shalt  }
0x66: {  	_ =	shalt  }
0x67: {  	_ =	shalt  }
0x68: {  	_ =	shalt  }
0x69: {  	_ =	shalt  }
0x6a: {  	_ =	shalt  }
0x6b: {  	_ =	shalt  }
0x6c: {  	_ =	shalt  }
0x6d: {  	_ =	shalt  }
0x6e: {  	_ =	shalt  }
0x6f: {  	_ =	shalt  }
0x70: {  	_ =	shalt  }
0x71: {  	_ =	shalt  }
0x72: {  	_ =	shalt  }
0x73: {  	_ =	shalt  }
0x74: {  	_ =	shalt  }
0x75: {  	_ =	shalt  }
0x76: {  	_ =	shalt  }
0x77: {  	_ =	shalt  }
0x78: {  	_ =	shalt  }
0x79: {  	_ =	shalt  }
0x7a: {  	_ =	shalt  }
0x7b: {  	_ =	shalt  }
0x7c: {  	_ =	shalt  }
0x7d: {  	_ =	shalt  }
0x7e: {  	_ =	shalt  }
0x7f: {  	_ =	shalt  }
0x80: {  	_ =	shalt  }
0x81: {  	_ =	shalt  }
0x82: {  	_ =	shalt  }
0x83: {  	_ =	shalt  }
0x84: {  	_ =	shalt  }
0x85: {  	_ =	shalt  }
0x86: {  	_ =	shalt  }
0x87: {  	_ =	shalt  }
.Lfunc_end0:
.L_simem_size_0:
called_computation_lowered:
.L_overlay_start_0:
0x88: {  	s2 =	sld [smem:$0x3FD9]  }
0x89: {  	s3 =	sld [smem:$0x3FFE];
	_ =	sdelay $0x1  }
0x8a: {  	s1 =	srdreg.scid  }
0x8b: {  	s0 =	sand.u32 $0x1, s1  }
0x8c: {  	s16 =	sshll.u32 s0, $0xA;
	s2 =	sadd.s32 s3, s2  }
0x8d: {  	s2 =	sadd.s32 s2, s16  }
0x8e: {  	[smem:$0x3F9D] =	sst s2  }
0x8f: {  	_ = 	snop  }
0x90: {  	(tm) =	ssettm $0x1  }
0x91: {  	s17 =	sld [smem:$0x3FFB];
	_ =	sdelay $0x3  }
0x92: {  	_ =	strace s17  }
0x93: {  	s2 =	sld [smem:$0x3FFC];
	_ =	sdelay $0x3  }
0x94: {  	_ =	strace s2  }
0x95: {  	s2 =	sld [smem:$0x3FFD];
	_ =	sdelay $0x3  }
0x96: {  	_ =	strace s2  }
0x97: {  	_ =	strace $0x8FFFFFFF  }
0x98: {  	s18 =	sld [smem:$0x3FDB];
	_ =	sdelay $0x1  }
0x99: {  	s19 =	simm.s32 $_scs_section_size  }
0x9a: {  	s4 =	simm.s32 $_size__tile_overlayer_lowered;
	s5 =	simm.s32 $_tile_overlayer_lowered  }
0x9b: {  	s22 =	simm.s32 $0x1BFF;
	s21 =	sshll.u32 s5, $0x1;
	s2 =	sadd.s32 s19, s18  }
0x9c: {  	s6 =	simm.s32 $0x0;
	s20 =	sshll.u32 s4, $0x1;
	s4 =	sadd.s32 s21, s2  }
0x9d: {  	[timem:s6], [sflag:s22] =	dma.local [hbm:s4], s20  }
0x9e: {  	_ =	swait.ge [sflag:s22], s20  }
0x9f: {  	s3 =	ssub.s32 $0x0, s20;
	[sflag:s22] =	ssyncset.done $0x0  }
0xa0: {  	[sflag:s22] =	ssyncadd.s32 s3;
	_ =	sdelay $0x1  }
0xa1: {  	s23 =	simm.s32 $0x1B8B  }
0xa2: {  	_ =	swait.ge [sflag:s23], $0x1  }
0xa3: {  	[sflag:s23] =	ssyncset.done $0x0  }
0xa4: {  	s25 =	simm.s32 $0x1B8E;
	s24 =	sld [smem:$0x3FFE];
	[sflag:s23] =	ssyncadd.s32 $0xFFFFFFFF  }
0xa5: {  	s26 =	simm.s32 $execute0_lowered;
	[smem:$0x3FD2] =	sst s25  }
0xa6: {  	s4 =	sshll.u32 s26, $0x1;
	_ =	strace $0x80000046;
	[dreg:$0x1] =	wrdreg $0xFFFFFFFF  }
0xa7: {  	s28 =	simm.s32 $_size_execute0_lowered;
	s2 =	sadd.s32 s2, s4;
	[dreg:$0x0] =	wrdreg $0x0  }
0xa8: {  	s4 =	sshll.u32 s28, $0x1;
	[dreg:$0x2] =	wrdreg s2  }
0xa9: {  	[dreg:$0x3] =	wrdreg s4  }
0xaa: {  	[dreg:$0x4] =	wrdreg $0xC0  }
0xab: {  	_ =	task [dreg:s6], $0x5FFFF  }
0xac: {  	[dreg:$0x1] =	wrdreg $0xFFFFFFFF  }
0xad: {  	[dreg:$0x0] =	wrdreg $0x60  }
0xae: {  	[dreg:$0x2] =	wrdreg s24  }
0xaf: {  	[dreg:$0x3] =	wrdreg $0x9  }
0xb0: {  	_ =	task.clear_ibuf [dreg:s6], $0x4FFFF;
	_ =	strace $0x90000046  }
0xb1: {  	s29 =	simm.s32 $0x9;
	_ =	strace $0x80000048  }
0xb2: {  	_ =	swait.ge [sflag:s29], $0x1  }
0xb3: {  	[sflag:s29] =	ssyncadd.s32 $0xFFFFFFFF  }
0xb4: {  	_ =	strace $0x90000048  }
0xb5: {  	_ =	sfence  }
0xb6: {  	s30 =	sld [smem:$0x0];
	_ =	sdelay $0x2  }
0xb7: {  	s31 =	sshll.u32 s1, $0xD;
	s1 =	sshrl.u32 s1, $0x2  }
0xb8: {  	s3 =	sand.u32 $0x4000, s31;
	s1 =	sadd.s32 s1, s30  }
0xb9: {  	s0 =	sor.u32 s3, s0;
	s1 =	sshll.u32 s1, $0x11  }
0xba: {  	s0 =	sor.u32 s1, s0  }
0xbb: {  	s0 =	sadd.s32 $0x8F2B, s0  }
0xbc: {  	[sflag:s0] =	ssyncadd.remote.s32 $0x1  }
0xbd: {  	_ =	sfence.sel $0xFFFF  }
0xbe: {  	[dreg:$0x0] =	wrdreg $0xFFFFFFFF;
	(pc) =	sbr.abs _section_cstart, $3  }
0xbf: {  	[dreg:$0x1] =	wrdreg $0xFFFFFFFF  }
0xc0: {  	_ =	task.clear_ibuf [dreg:s6], $0x2FFFF;
	_ =	strace $0x9FFFFFFF  }
0xc1: {  	(tm) =	ssettm $0x7FFFFFFF  }
tec
execute0_lowered:
.L_overlay_start_1:
0x0: {  	(tag) =	ssettag $0x1  }
0x1: {  	s1 =	srdreg.scid  }
0x2: {  	s0 =	stileid.u32;
	s5 =	rddreg [dreg:$0x0]  }
0x3: {  	s3 =	simm.s32 $0x1;
	s2 =	simm.s32 $0x0;
	s14 =	simm.s32 $0x400  }
0x4: {  	s15 =	simm.s32 $0x800;
	s16 =	simm.s32 $0xC00;
	s17 =	simm.s32 $0xD00  }
0x5: {  	s18 =	simm.s32 $0xE00;
	s19 =	simm.s32 $0xF00;
	s4 =	sand.u32 $0x1, s1  }
0x6: {  	s20 =	simm.s32 $0xCF00;
	s21 =	simm.s32 $0x0;
	s1 =	sor.u32 s4, s0  }
0x7: {  	[smem:$0x7FF] =	sst s2;
	p1 =	seq.s32 s4, $0x1;
	p0 =	seq.s32 s1, $0x0  }
0x8: {  	s10 =	sshll.u32 s4, $0xB;
	s11 =	smul.u32 $0x60000, s4;
	p0 =	por !p0, !p1  }
0x9: {  	s12 =	sshll.u32 s4, $0x11;
	s4 =	ssub.s32 $0x2, s4;
	p0 =	por !p0, !p0  }
0xa: {  	s1 =	rddreg [dreg:$0x1];
	s29 =	sshrl.u32 s4, $0x1;
	s3 =	simm.s32 @!p0 $0x0  }
0xb: {  	_ =	strace $0x80000047;
	s13 =	ssub.s32 s4, s29;
	s3 =	ssub.s32 s0, s3  }
0xc: {  	s6 =	sshrl.u32 s3, $0x3;
	s7 =	sshll.u32 s3, $0x7;
	s3 =	simm.s32 $0x1  }
0xd: {  	s7 =	sand.u32 $0x380, s7;
	s8 =	sshll.u32 s6, $0xD;
	s9 =	sshll.u32 s6, $0xC  }
0xe: {  	s26 =	smul.u32 $0xC0000, s6;
	s6 =	sshll.u32 s6, $0x12;
	s8 =	sor.u32 s7, s8  }
0xf: {  	s9 =	sor.u32 s10, s9;
	s6 =	sor.u32 s12, s6;
	s12 =	smax.u32 s13, $0x1  }
0x10: {  	s13 =	simm.s32 $0x80;
	s8 =	sshrl.u32 s8, $0x3;
	s9 =	sor.u32 s7, s9  }
0x11: {  	s10 =	sadd.s32 s11, s26;
	s6 =	sor.u32 s7, s6;
	s8 =	sadd.s32 s8, s5  }
0x12: {  	s9 =	sshrl.u32 s9, $0x3;
	s10 =	sor.u32 s7, s10;
	s6 =	sshrl.u32 s6, $0x3  }
0x13: {  	s9 =	sadd.s32 s9, s5;
	s28 =	sshrl.u32 s10, $0x3;
	s31 =	sadd.s32 s6, s5  }
0x14: {  	s4 =	sadd.s32 $0x8200, s8;
	s6 =	sadd.s32 $0x7200, s8;
	s30 =	sadd.s32 s28, s5  }
0x15: {  	v0 =	vimm.f32 $-1.000000020e+30;
	v2 =	vlaneseq.u32;
	s5 =	sadd.s32 $0x7A00, s8;
	s7 =	sadd.s32 $0x9200, s9;
	s8 =	sadd.s32 $0x8E00, s9  }
0x16: {  	v1 =	vimm.f32 $0.0e+00;
	v3 =	vimm.s32 $0x0;
	v2 =	vmul.u32 $0x40, v2;
	s9 =	sadd.s32 $0x8A00, s9;
	s11 =	sadd.s32 $0x39600, s31;
	s10 =	sadd.s32 $0x9600, s30  }
.LBB2_1:
0x17: {  	[tilespmem:s2], [sflag:$0x1] =	stream.strided.gather [hbm4b:s4+s13], $0x400, s14, s13, $0x38;
	[tilespmem:$0x10F00] =	vst v63  }
0x18: {  	_ =	swait.ge [sflag:s3], $0x400  }
0x19: {  	[sflag:s3] =	ssyncset.done $0x0  }
0x1a: {  	[sflag:s3] =	ssyncadd.s32 $0xFFFFFC00  }
0x1b: {  	[tilespmem:s14], [sflag:$0x1] =	stream.strided.gather [hbm4b:s5+s13], $0x400, s14, s13, $0x38;
	[tilespmem:$0x10F00] =	vst v63  }
0x1c: {  	_ =	swait.ge [sflag:s3], $0x400  }
0x1d: {  	[sflag:s3] =	ssyncset.done $0x0  }
0x1e: {  	[sflag:s3] =	ssyncadd.s32 $0xFFFFFC00  }
0x1f: {  	[tilespmem:s15], [sflag:$0x1] =	stream.strided.gather [hbm4b:s6+s13], $0x400, s14, s13, $0x38;
	[tilespmem:$0x10F00] =	vst v63  }
0x20: {  	_ =	swait.ge [sflag:s3], $0x400  }
0x21: {  	[sflag:s3] =	ssyncset.done $0x0  }
0x22: {  	[sflag:s3] =	ssyncadd.s32 $0xFFFFFC00  }
0x23: {  	[tilespmem:s16], [sflag:$0x1] =	stream.strided.gather [hbm4b:s7+s13], $0x100, s14, s13, $0x38;
	[tilespmem:$0x10F00] =	vst v63  }
0x24: {  	_ =	swait.ge [sflag:s3], $0x100  }
0x25: {  	[sflag:s3] =	ssyncset.done $0x0  }
0x26: {  	[sflag:s3] =	ssyncadd.s32 $0xFFFFFF00  }
0x27: {  	[tilespmem:s17], [sflag:$0x1] =	stream.strided.gather [hbm4b:s8+s13], $0x100, s14, s13, $0x38;
	[tilespmem:$0x10F00] =	vst v63  }
0x28: {  	_ =	swait.ge [sflag:s3], $0x100  }
0x29: {  	[sflag:s3] =	ssyncset.done $0x0  }
0x2a: {  	[sflag:s3] =	ssyncadd.s32 $0xFFFFFF00  }
0x2b: {  	[tilespmem:s18], [sflag:$0x1] =	stream.strided.gather [hbm4b:s9+s13], $0x100, s14, s13, $0x38;
	[tilespmem:$0x10F00] =	vst v63  }
0x2c: {  	_ =	swait.ge [sflag:s3], $0x100  }
0x2d: {  	[sflag:s3] =	ssyncset.done $0x0  }
0x2e: {  	s22 =	simm.s32 $0x40;
	s23 =	simm.s32 $0x0;
	[sflag:s3] =	ssyncadd.s32 $0xFFFFFF00  }
.LBB2_2:
0x2f: {  	p0 =	sne.s32 s22, $0xFFC0;
	[tilespmem:s23+$0xCF00] =	vst v0;
	s23 =	smov.u32 s22;
	s22 =	sadd.s32 $0x40, s22  }
.Ltmp0:
0x30: {  	(pc) =	sbr.rel @p0 .LBB2_2-.Ltmp0, $2  }
0x31: {  	_ =	sdelay $0x2  }
0x32: {  	s23 =	sshra.s32 s23, $0x2  }
0x33: {  	[tilespmem:s23+$0xCF00] =	vst v0;
	s22 =	simm.s32 $0x0;
	s23 =	simm.s32 $0x40;
	s24 =	simm.s32 $0x0  }
.LBB2_4:
0x34: {  	p0 =	sne.s32 s23, $0x2FFC0;
	[tilespmem:s24+$0xF00] =	vst v1;
	s24 =	smov.u32 s23;
	s23 =	sadd.s32 $0x40, s23  }
.Ltmp1:
0x35: {  	(pc) =	sbr.rel @p0 .LBB2_4-.Ltmp1, $2  }
0x36: {  	_ =	sdelay $0x2  }
0x37: {  	s24 =	sshra.s32 s24, $0x2  }
0x38: {  	[tilespmem:s24+$0xF00] =	vst v1  }
.LBB2_6:
0x39: {  	s23 =	sshll.u32 s22, $0x4  }
0x3a: {  	v4 =	vld [tilespmem:s23+$0xC00];
	v6 =	vmov s23  }
0x3b: {  	v5 =	vld [tilespmem:s23+$0xD00];
	v7 =	vshll.u32 v6, $0x6  }
0x3c: {  	v8 =	vimm.s32 $0x0;
	v6 =	vld [tilespmem:s23+$0xE00];
	s23 =	simm.s32 $0x0;
	v7 =	vor.u32 v2, v7  }
.LBB2_7:
0x3d: {  	v9 =	vmov s23  }
0x3e: {  	v9 =	vand.u32 $0xFFFFFFFC, v9  }
0x3f: {  	v9 =	vbroadcast v9, $0x0;
	_ =	sdelay $0x5  }
0x40: {  	v10 =	vld.idx.msk [tilespmem:v9+s2+$0x0], $0xffff  }
0x41: {  	v11 =	vld.idx.msk [tilespmem:v9+s14+$0x0], $0xffff;
	_ =	sdelay $0x1  }
0x42: {  	v9 =	vld.idx.msk [tilespmem:v9+s15+$0x0], $0xffff;
	_ =	sdelay $0x2  }
0x43: {  	v10 =	vsub.f32 v10, v4;
	v11 =	vsub.f32 v11, v5;
	_ =	sdelay $0x1  }
0x44: {  	v9 =	vsub.f32 v9, v6;
	v12 =	vmul.f32 v10, v10;
	v13 =	vmul.f32 v11, v11;
	_ =	sdelay $0x1  }
0x45: {  	v35 =	vmul.f32 v9, v9;
	v12 =	vadd.f32 v13, v12;
	_ =	sdelay $0x1  }
0x46: {  	v12 =	vadd.f32 v35, v12;
	_ =	sdelay $0x1  }
0x47: {  	vm1 =	vlt.s32 v8, $0x40;
	v36 =	vadd.s32 v7, v8;
	vm0 =	vle.f32 v12, $3.999999910e-02  }
0x48: {  	v37 =	vmul.u32 $0x3, v36;
	vm0 =	vmand vm1, vm0  }
0x49: {  	s24 =	sadd.s32 $0x1, s23  }
0x4a: {  	v15 =	vmov s24;
	v14 =	vadd.s32 $0x1, v37  }
0x4b: {  	v15 =	vand.u32 $0xFFFFFFFD, v15;
	v16 =	vadd.s32 $0x2, v37  }
0x4c: {  	v15 =	vbroadcast v15, $0x0;
	_ =	sdelay $0x1  }
0x4d: {  	[tilespmem:v37+s19+$0x0] =	vst.idx.msk vm0, v10  }
0x4e: {  	[tilespmem:v14+s19+$0x0] =	vst.idx.msk vm0, v11  }
0x4f: {  	[tilespmem:v16+s19+$0x0] =	vst.idx.msk vm0, v9  }
0x50: {  	[tilespmem:v36+s20+$0x0] =	vst.idx.msk vm0, v1  }
0x51: {  	v9 =	vld.idx.msk [tilespmem:v15+s2+$0x0], $0xffff  }
0x52: {  	v10 =	vld.idx.msk [tilespmem:v15+s14+$0x0], $0xffff;
	_ =	sdelay $0x1  }
0x53: {  	v11 =	vld.idx.msk [tilespmem:v15+s15+$0x0], $0xffff;
	_ =	sdelay $0x2  }
0x54: {  	v9 =	vsub.f32 v9, v4;
	v10 =	vsub.f32 v10, v5;
	_ =	sdelay $0x1  }
0x55: {  	v11 =	vsub.f32 v11, v6;
	v38 =	vmul.f32 v9, v9;
	v39 =	vmul.f32 v10, v10;
	_ =	sdelay $0x1  }
0x56: {  	v40 =	vmul.f32 v11, v11;
	v12 =	vadd.f32 v39, v38;
	_ =	sdelay $0x1  }
0x57: {  	v41 =	vsel vm0, $0x1, v3;
	v12 =	vadd.f32 v40, v12  }
0x58: {  	v8 =	vadd.s32 v41, v8  }
0x59: {  	vm11 =	vlt.s32 v8, $0x40;
	v42 =	vadd.s32 v7, v8;
	vm10 =	vle.f32 v12, $3.999999910e-02  }
0x5a: {  	v43 =	vmul.u32 $0x3, v42;
	vm0 =	vmand vm11, vm10  }
0x5b: {  	s30 =	sadd.s32 $0x2, s23  }
0x5c: {  	v45 =	vmov s30;
	v44 =	vadd.s32 $0x1, v43  }
0x5d: {  	v46 =	vadd.s32 $0x2, v43;
	v15 =	vand.u32 $0xFFFFFFFE, v45  }
0x5e: {  	v15 =	vbroadcast v15, $0x0;
	_ =	sdelay $0x1  }
0x5f: {  	[tilespmem:v43+s19+$0x0] =	vst.idx.msk vm0, v9  }
0x60: {  	[tilespmem:v44+s19+$0x0] =	vst.idx.msk vm0, v10  }
0x61: {  	[tilespmem:v46+s19+$0x0] =	vst.idx.msk vm0, v11  }
0x62: {  	[tilespmem:v42+s20+$0x0] =	vst.idx.msk vm0, v1  }
0x63: {  	v9 =	vld.idx.msk [tilespmem:v15+s2+$0x0], $0xffff  }
0x64: {  	v10 =	vld.idx.msk [tilespmem:v15+s14+$0x0], $0xffff;
	_ =	sdelay $0x1  }
0x65: {  	v11 =	vld.idx.msk [tilespmem:v15+s15+$0x0], $0xffff;
	_ =	sdelay $0x2  }
0x66: {  	v9 =	vsub.f32 v9, v4;
	v10 =	vsub.f32 v10, v5;
	_ =	sdelay $0x1  }
0x67: {  	v11 =	vsub.f32 v11, v6;
	v47 =	vmul.f32 v9, v9;
	v48 =	vmul.f32 v10, v10;
	_ =	sdelay $0x1  }
0x68: {  	v49 =	vmul.f32 v11, v11;
	v12 =	vadd.f32 v48, v47;
	_ =	sdelay $0x1  }
0x69: {  	v50 =	vsel vm0, $0x1, v3;
	v12 =	vadd.f32 v49, v12  }
0x6a: {  	v8 =	vadd.s32 v50, v8  }
0x6b: {  	vm13 =	vlt.s32 v8, $0x40;
	v51 =	vadd.s32 v7, v8;
	vm12 =	vle.f32 v12, $3.999999910e-02  }
0x6c: {  	v52 =	vmul.u32 $0x3, v51;
	vm0 =	vmand vm13, vm12;
	_ =	sdelay $0x1  }
0x6d: {  	v53 =	vadd.s32 $0x1, v52  }
0x6e: {  	v54 =	vadd.s32 $0x2, v52  }
0x6f: {  	s31 =	sadd.s32 $0x3, s23  }
0x70: {  	v55 =	vmov s31  }
0x71: {  	[tilespmem:v52+s19+$0x0] =	vst.idx.msk vm0, v9  }
0x72: {  	[tilespmem:v53+s19+$0x0] =	vst.idx.msk vm0, v10  }
0x73: {  	[tilespmem:v54+s19+$0x0] =	vst.idx.msk vm0, v11  }
0x74: {  	[tilespmem:v51+s20+$0x0] =	vst.idx.msk vm0, v1  }
0x75: {  	v9 =	vld.idx.msk [tilespmem:v55+s2+$0x0], $0xffff  }
0x76: {  	v10 =	vld.idx.msk [tilespmem:v55+s14+$0x0], $0xffff;
	_ =	sdelay $0x1  }
0x77: {  	v11 =	vld.idx.msk [tilespmem:v55+s15+$0x0], $0xffff;
	_ =	sdelay $0x2  }
0x78: {  	v9 =	vsub.f32 v9, v4;
	v10 =	vsub.f32 v10, v5;
	_ =	sdelay $0x1  }
0x79: {  	v11 =	vsub.f32 v11, v6;
	v56 =	vmul.f32 v9, v9;
	v57 =	vmul.f32 v10, v10;
	_ =	sdelay $0x1  }
0x7a: {  	v58 =	vmul.f32 v11, v11;
	v12 =	vadd.f32 v57, v56;
	_ =	sdelay $0x1  }
0x7b: {  	v59 =	vsel vm0, $0x1, v3;
	v12 =	vadd.f32 v58, v12  }
0x7c: {  	v8 =	vadd.s32 v59, v8  }
0x7d: {  	vm15 =	vlt.s32 v8, $0x40;
	v60 =	vadd.s32 v7, v8;
	vm14 =	vle.f32 v12, $3.999999910e-02  }
0x7e: {  	v61 =	vmul.u32 $0x3, v60;
	vm0 =	vmand vm15, vm14;
	_ =	sdelay $0x1  }
0x7f: {  	v62 =	vadd.s32 $0x1, v61  }
0x80: {  	v63 =	vadd.s32 $0x2, v61  }
0x81: {  	p0 =	sne.s32 s23, $0x3FC  }
.Ltmp2:
0x82: {  	_ = 	snop;
	(pc) =	sbr.rel @p0 .LBB2_7-.Ltmp2, $4  }
0x83: {  	[tilespmem:v61+s19+$0x0] =	vst.idx.msk vm0, v9  }
0x84: {  	[tilespmem:v62+s19+$0x0] =	vst.idx.msk vm0, v10  }
0x85: {  	v9 =	vsel vm0, $0x1, v3;
	[tilespmem:v63+s19+$0x0] =	vst.idx.msk vm0, v11  }
0x86: {  	s23 =	sadd.s32 $0x4, s23;
	v8 =	vadd.s32 v9, v8;
	[tilespmem:v60+s20+$0x0] =	vst.idx.msk vm0, v1  }
0x87: {  	s22 =	sadd.s32 $0x1, s22  }
0x88: {  	p0 =	sne.s32 s22, $0x10  }
.Ltmp3:
0x89: {  	_ = 	snop;
	(pc) =	sbr.rel @p0 .LBB2_6-.Ltmp3, $1  }
0x8a: {  	_ =	sdelay $0x3  }
0x8b: {  	[hbm4b:s10+s13] =	stream.strided.scatter [tilespmem:s19], [sflag:$0x1], $0xC000, s14, s13, $0x38;
	[tilespmem:$0x10F00] =	vst v63  }
0x8c: {  	s21 =	sadd.s32 $0x1, s21;
	_ =	swait.ge [sflag:s3], $0xC000  }
0x8d: {  	p0 =	sne.s32 s21, s12;
	[sflag:s3] =	ssyncset.done $0x0  }
.Ltmp4:
0x8e: {  	[sflag:s3] =	ssyncadd.s32 $0xFFFF4000;
	(pc) =	sbr.rel @p0 .LBB2_1-.Ltmp4, $4  }
0x8f: {  	[hbm4b:s11+s13] =	stream.strided.scatter [tilespmem:s20], [sflag:$0x1], $0x4000, s14, s13, $0x38;
	[tilespmem:$0x10F00] =	vst v63  }
0x90: {  	_ =	swait.ge [sflag:s3], $0x4000  }
0x91: {  	[sflag:s3] =	ssyncset.done $0x0  }
0x92: {  	[sflag:s3] =	ssyncadd.s32 $0xFFFFC000  }
0x93: {  	_ =	sfence.sel $0x180000  }
0x94: {  	[bflag:$0x0] =	sbarrier.arrive $0xFFFF  }
0x95: {  	p0 =	sne.s32 s0, $0x0;
	_ =	strace $0x90000047  }
0x96: {  	s0 =	sadd.s32 @!p0 $0x100000, s1;
	[bflag:$0x2] =	sbarrier.arrive $0xFFFF  }
0x97: {  	[sflag:s0] =	ssyncadd.tile.s32 @!p0 $0x1;
	_ =	shalt  }
.Lfunc_end2:
_tile_overlayer_lowered:
.L_overlay_start_2:
0x98: {  	(tag) =	ssettag $0x2  }
0x99: {  	s0 =	rddreg [dreg:$0x0];
	s2 =	stileid.u32  }
0x9a: {  	s1 =	rddreg [dreg:$0x1];
	p0 =	sne.s32 s2, $0x0  }
0x9b: {  	s3 =	rddreg [dreg:$0x2];
	[bflag:$0x3] =	sbarrier.arrive $0xFFFF;
	s2 =	simm.s32 @!p0 $0x1C01  }
0x9c: {  	[timem:s3], [sflag:s2] =	dma.local @!p0 [hbm:s0], s1  }
0x9d: {  	s0 =	simm.s32 @!p0 $0x1  }
0x9e: {  	_ =	swait.ge @!p0 [sflag:s0], s1  }
0x9f: {  	s1 =	ssub.s32 @!p0 $0x0, s1;
	[sflag:s0] =	ssyncset.done @!p0 $0x0  }
0xa0: {  	[sflag:s0] =	ssyncadd.s32 @!p0 s1  }
0xa1: {  	[bflag:$0x3] =	sbarrier.arrive $0xFFFF  }
0xa2: {  	_ =	shalt  }

</sc_bundles>
